<compile_context>
chip_gen: v7x
topology: tpu7x:2x2x1
jax: 0.10.2.dev20260603
libtpu: 0.0.44.dev20260713+nightly
codegen_flags: <defaults>
</compile_context>

<pallas_src>
import jax
import jax.numpy as jnp
from jax.experimental import pallas as pl
from jax.experimental.pallas import tpu as pltpu
from jax.experimental.pallas import tpu_sc as plsc

_NE = 1024
_ED = 64
_CC = 0.25
_B = 4
_S = 8192
_BS = 2048
_NBLK = _S // _BS
_GRID = _B * _NBLK
_NTOK = _B * _S

_SC_NC = 2
_SC_NS = 16
_TOK_SUB = _NTOK // (_SC_NC * _SC_NS)
_L = 16


def _vq_kernel(x_ref, e_ref, q_ref, idx_ref, cnt_ref, lp_ref):
    x = x_ref[...]
    e = e_ref[...]

    s = jax.lax.dot_general(x, e, (((1,), (1,)), ((), ())),
                            preferred_element_type=jnp.float32)
    xsq = jnp.sum(x * x, axis=1, keepdims=True)
    esq = jnp.sum(e * e, axis=1)[None, :]
    dist = xsq + esq - 2.0 * s

    kiota = jax.lax.broadcasted_iota(jnp.int32, (_BS, _NE), 1)
    dmin = jnp.min(dist, axis=1, keepdims=True)
    idx = jnp.min(jnp.where(dist == dmin, kiota, _NE), axis=1)
    idx_ref[...] = idx[:, None]

    oh = (kiota == idx[:, None]).astype(jnp.float32)
    q = jnp.dot(oh, e, preferred_element_type=jnp.float32)
    q_ref[...] = q

    cnt_ref[0, 0] = jnp.sum(oh, axis=0)
    lp_ref[0, 0] = jnp.broadcast_to(jnp.sum(dmin, axis=0), (_NE,))


_TCH = 64
_NCH = _TOK_SUB // _TCH


def _sc_oh_kernel(zeros_hbm, idx_hbm, out_hbm, buf, idxv, sem):
    c = jax.lax.axis_index("c")
    s = jax.lax.axis_index("s")
    w = c * _SC_NS + s

    pltpu.sync_copy(zeros_hbm, buf)
    base_tok = pl.multiple_of(w * _TOK_SUB, _TOK_SUB)
    pltpu.sync_copy(idx_hbm.at[pl.ds(base_tok, _TOK_SUB)], idxv)

    lane = jax.lax.iota(jnp.int32, _L)

    def _chunk(t, carry):
        def _scat(val0):
            def _body(g, carry2):
                toff = pl.multiple_of(t * _TCH + g * _L, _L)
                v16 = idxv[pl.ds(toff, _L)]
                for j in range(_L):
                    vj = v16[j]
                    row = g * _L + j
                    bs = (vj // _L) * _L
                    pat = jnp.where(lane == vj % _L, val0, 0.0)
                    buf[pl.ds(pl.multiple_of(row * _NE + bs, _L), _L)] = pat
                return carry2
            jax.lax.fori_loop(0, _TCH // _L, _body, 0)

        _scat(jnp.float32(1.0))
        dst = pl.multiple_of((base_tok + t * _TCH) * _NE, _TCH * _NE)
        pltpu.sync_copy(buf, out_hbm.at[pl.ds(dst, _TCH * _NE)])
        _scat(jnp.float32(0.0))
        return carry

    jax.lax.fori_loop(0, _NCH, _chunk, 0)


def _fin_kernel(cnt_ref, lp_ref, loss_ref, perp_ref):
    cnt = jnp.sum(cnt_ref[...], axis=0, keepdims=True)
    p = cnt * (1.0 / _NTOK)
    perp_ref[...] = jnp.exp(-jnp.sum(p * jnp.log(p + 1e-10), keepdims=True))
    lsum = jnp.sum(lp_ref[...][:, 0:1], keepdims=True)
    loss_ref[...] = lsum * (_CC / (_NTOK * _ED))


def kernel(inputs, embed):
    x = jnp.transpose(inputs, (0, 2, 3, 4, 1)).reshape(_NTOK, _ED)

    q, idx, cnt, lp = pl.pallas_call(
        _vq_kernel,
        grid=(_GRID,),
        in_specs=[
            pl.BlockSpec((_BS, _ED), lambda g: (g, 0)),
            pl.BlockSpec((_NE, _ED), lambda g: (0, 0)),
        ],
        out_specs=[
            pl.BlockSpec((_BS, _ED), lambda g: (g, 0)),
            pl.BlockSpec((_BS, 1), lambda g: (g, 0)),
            pl.BlockSpec((1, 1, _NE), lambda g: (g, 0, 0)),
            pl.BlockSpec((1, 1, _NE), lambda g: (g, 0, 0)),
        ],
        out_shape=[
            jax.ShapeDtypeStruct((_NTOK, _ED), jnp.float32),
            jax.ShapeDtypeStruct((_NTOK, 1), jnp.int32),
            jax.ShapeDtypeStruct((_GRID, 1, _NE), jnp.float32),
            jax.ShapeDtypeStruct((_GRID, 1, _NE), jnp.float32),
        ],
        compiler_params=pltpu.CompilerParams(
            dimension_semantics=("parallel",),
        ),
    )(x, embed)

    oh = pl.kernel(
        _sc_oh_kernel,
        out_type=jax.ShapeDtypeStruct((_NTOK * _NE,), jnp.float32),
        mesh=plsc.VectorSubcoreMesh(core_axis_name="c", subcore_axis_name="s"),
        scratch_types=[
            pltpu.VMEM((_TCH * _NE,), jnp.float32),
            pltpu.VMEM((_TOK_SUB,), jnp.int32),
            pltpu.SemaphoreType.DMA,
        ],
    )(
        jnp.zeros((_TCH * _NE,), jnp.float32),
        idx.reshape(_NTOK),
    )

    loss, perp = pl.pallas_call(
        _fin_kernel,
        out_specs=[
            pl.BlockSpec((1, 1), lambda: (0, 0)),
            pl.BlockSpec((1, 1), lambda: (0, 0)),
        ],
        out_shape=[
            jax.ShapeDtypeStruct((1, 1), jnp.float32),
            jax.ShapeDtypeStruct((1, 1), jnp.float32),
        ],
    )(cnt.reshape(_GRID, _NE), lp.reshape(_GRID, _NE))

    quantized_st = jnp.transpose(q.reshape(_B, 8, 32, 32, _ED), (0, 4, 1, 2, 3))
    oh_r = jnp.transpose(oh.reshape(_B, 8, 32, 32, _NE), (0, 4, 1, 2, 3))
    encoding_indices = idx.reshape(_NTOK)
    return (loss[0, 0], quantized_st, perp[0, 0], oh_r, encoding_indices)

# --- scband reference (transcript-rebuilt; emitter-appended) ---
"""Pipeline reference for scband-quantizer-4939212390839 (READ-ONLY COPY).

The authoritative reference and input builder live on the scoring server;
editing this copy changes nothing except your own understanding.
"""

import jax, jax.numpy as jnp
import numpy as np

NUM_EMBEDDINGS = 1024
EMBEDDING_DIM = 64
COMMITMENT_COST = 0.25

def setup_inputs(seed: int = 0) -> dict:
    key = jax.random.key(seed)
    k1, k2 = jax.random.split(key)
    inputs = jax.random.normal(k1, (4, 64, 8, 32, 32), dtype=jnp.float32)
    embed = jax.random.normal(k2, (NUM_EMBEDDINGS, EMBEDDING_DIM), dtype=jnp.float32)
    return {"inputs": inputs, "embed": embed}

def reference(inputs, embed):
    # channel-last: [B, T, H, W, C]
    channel_last = jnp.transpose(inputs, (0, 2, 3, 4, 1))
    input_shape = channel_last.shape
    flat_input = channel_last.reshape(-1, EMBEDDING_DIM)
    distances = (flat_input ** 2).sum(axis=1, keepdims=True) \
        + (embed ** 2).sum(axis=1) \
        - 2.0 * flat_input @ embed.T
    encoding_indices = jnp.argmin(distances, axis=1)
    encodings_one_hot = jax.nn.one_hot(encoding_indices, NUM_EMBEDDINGS, dtype=inputs.dtype)
    quantized = jnp.take(embed, encoding_indices, axis=0).reshape(input_shape)
    # eval mode: EMA update (_update_ema) is skipped (self.training == False)
    avg_probs = jnp.mean(encodings_one_hot, axis=0)
    perplexity = jnp.exp(-jnp.sum(avg_probs * jnp.log(avg_probs + 1e-10)))
    quantized = jnp.transpose(quantized, (0, 4, 1, 2, 3))
    encodings_one_hot_r = jnp.transpose(
        encodings_one_hot.reshape(input_shape[:-1] + (NUM_EMBEDDINGS,)), (0, 4, 1, 2, 3))
    # torch code reshapes encoding_indices without assignment -> returned flat
    q_detached = jax.lax.stop_gradient(quantized)
    e_latent_loss = jnp.mean((q_detached - inputs) ** 2)
    loss = COMMITMENT_COST * e_latent_loss
    quantized_st = inputs + jax.lax.stop_gradient(quantized - inputs)
    return (loss, quantized_st, perplexity, encodings_one_hot_r, encoding_indices)

if __name__ == "__main__":
    import jax
    _d = setup_inputs()
    print(jax.jit(kernel)(*tuple(_d.values())))

</pallas_src>

<mosaic_0001>
#map = affine_map<(d0, d1) -> (0)>
module attributes {stable_mosaic.version = 14 : i64} {
  func.func @_sc_oh_kernel(%arg0: i32, %arg1: i32, %arg2: memref<65536xf32, #tpu.memory_space<hbm>>, %arg3: memref<32768xi32, #tpu.memory_space<hbm>>, %arg4: memref<33554432xf32, #tpu.memory_space<hbm>>, %arg5: memref<65536xf32, #tpu.memory_space<vmem>>, %arg6: memref<1024xi32, #tpu.memory_space<vmem>>, %arg7: memref<!tpu.dma_semaphore, #tpu.memory_space<semaphore_mem>>) attributes {dimension_semantics = [#tpu.dimension_semantics<core_parallel>, #tpu.dimension_semantics<subcore_parallel>], iteration_bounds = array<i64: 2, 16>, scalar_prefetch = 0 : i64, scratch_operands = 3 : i64, tpu.core_type = #tpu.core_type<sc_vector_subcore>, window_params = [{transform_indices = #map}, {transform_indices = #map}, {transform_indices = #map}]} {
    %mul3A = arith.constant 16 : i32
    %mul3A_0 = arith.muli %arg0, %mul3A : i32
    %add3A = arith.addi %mul3A_0, %arg1 : i32
    "tpu.region"() ({
      %run_scoped3A = tpu.sem_alloc : memref<!tpu.dma_semaphore, #tpu.memory_space<semaphore_mem>>
      tpu.enqueue_dma source(%arg2 : memref<65536xf32, #tpu.memory_space<hbm>>) target(%arg5 : memref<65536xf32, #tpu.memory_space<vmem>>) target_semaphore(%run_scoped3A : memref<!tpu.dma_semaphore, #tpu.memory_space<semaphore_mem>>)
      tpu.wait_dma2 semaphore(%run_scoped3A : memref<!tpu.dma_semaphore, #tpu.memory_space<semaphore_mem>>) src(%arg2 : memref<65536xf32, #tpu.memory_space<hbm>>) dst(%arg5 : memref<65536xf32, #tpu.memory_space<vmem>>)
      tpu.yield
    }) : () -> ()
    %mul3A_1 = arith.constant 1024 : i32
    %mul3A_2 = arith.muli %add3A, %mul3A_1 : i32
    %multiple_of3A = tpu.assume_multiple %mul3A_2, 1024 : i32
    "tpu.region"() ({
      %run_scoped3A = tpu.sem_alloc : memref<!tpu.dma_semaphore, #tpu.memory_space<semaphore_mem>>
      %dma_start3A = tpu.memref_slice %arg3[%multiple_of3A] : memref<32768xi32, #tpu.memory_space<hbm>> -> memref<1024xi32, #tpu.memory_space<hbm>>
      %dma_start3A_8 = tpu.memref_slice %arg3[%multiple_of3A] : memref<32768xi32, #tpu.memory_space<hbm>> -> memref<1024xi32, #tpu.memory_space<hbm>>
      tpu.enqueue_dma source(%dma_start3A_8 : memref<1024xi32, #tpu.memory_space<hbm>>) target(%arg6 : memref<1024xi32, #tpu.memory_space<vmem>>) target_semaphore(%run_scoped3A : memref<!tpu.dma_semaphore, #tpu.memory_space<semaphore_mem>>)
      %dma_wait3A = tpu.memref_slice %arg3[%multiple_of3A] : memref<32768xi32, #tpu.memory_space<hbm>> -> memref<1024xi32, #tpu.memory_space<hbm>>
      %dma_wait3A_9 = tpu.memref_slice %arg3[%multiple_of3A] : memref<32768xi32, #tpu.memory_space<hbm>> -> memref<1024xi32, #tpu.memory_space<hbm>>
      tpu.wait_dma2 semaphore(%run_scoped3A : memref<!tpu.dma_semaphore, #tpu.memory_space<semaphore_mem>>) src(%dma_wait3A_9 : memref<1024xi32, #tpu.memory_space<hbm>>) dst(%arg6 : memref<1024xi32, #tpu.memory_space<vmem>>)
      tpu.yield
    }) : () -> ()
    %iota3A = tpu.iota {dimensions = array<i32: 0>} : vector<16xi32>
    %scan3A = arith.constant 0 : i32
    %scan3A_3 = arith.constant 0 : i32
    %scan3A_4 = arith.constant 16 : i32
    %scan3A_5 = arith.addi %scan3A_3, %scan3A_4 : i32
    %scan3A_6 = arith.constant 1 : i32
    scf.for %scan3A_8 = %scan3A_3 to %scan3A_5 step %scan3A_6  : i32 {
      %scan3A_9 = arith.constant 0 : i32
      %scan3A_10 = arith.constant 1.000000e+00 : f32
      %scan3A_11 = arith.constant 0 : i32
      %scan3A_12 = arith.constant 4 : i32
      %scan3A_13 = arith.addi %scan3A_11, %scan3A_12 : i32
      %scan3A_14 = arith.constant 1 : i32
      scf.for %scan3A_29 = %scan3A_11 to %scan3A_13 step %scan3A_14  : i32 {
        %mul3A_30 = arith.constant 64 : i32
        %mul3A_31 = arith.muli %scan3A_8, %mul3A_30 : i32
        %mul3A_32 = arith.constant 16 : i32
        %mul3A_33 = arith.muli %scan3A_29, %mul3A_32 : i32
        %add3A_34 = arith.addi %mul3A_31, %mul3A_33 : i32
        %multiple_of3A_35 = tpu.assume_multiple %add3A_34, 16 : i32
        %get3A = arith.index_cast %multiple_of3A_35 : i32 to index
        %get3A_36 = tpu.vector_load %arg6[%get3A] {strides = array<i32>} : memref<1024xi32, #tpu.memory_space<vmem>>, vector<16xi32>,
        %get3A_37 = vector.shape_cast %get3A_36 : vector<16xi32> to vector<16xi32>
        %slice3A = vector.extract_strided_slice %get3A_37 {offsets = [0], sizes = [1], strides = [1]} : vector<16xi32> to vector<1xi32>
        %squeeze3A = vector.extract %slice3A[0] : i32 from vector<1xi32>
        %mul3A_38 = arith.constant 16 : i32
        %mul3A_39 = arith.muli %scan3A_29, %mul3A_38 : i32
        %add3A_40 = arith.constant 0 : i32
        %add3A_41 = arith.addi %mul3A_39, %add3A_40 : i32
        %jit3A = arith.constant 16 : i32
        %div3A = arith.divsi %squeeze3A, %jit3A : i32
        %sign3A = arith.constant 0 : i32
        %sign3A_42 = arith.cmpi sgt, %squeeze3A, %sign3A : i32
        %sign3A_43 = arith.extui %sign3A_42 : i1 to i32
        %sign3A_44 = arith.constant 0 : i32
        %sign3A_45 = arith.cmpi slt, %squeeze3A, %sign3A_44 : i32
        %sign3A_46 = arith.extui %sign3A_45 : i1 to i32
        %sign3A_47 = arith.subi %sign3A_43, %sign3A_46 : i32
        %sign3A_48 = arith.constant 0 : i32
        %sign3A_49 = arith.cmpi sgt, %jit3A, %sign3A_48 : i32
        %sign3A_50 = arith.extui %sign3A_49 : i1 to i32
        %sign3A_51 = arith.constant 0 : i32
        %sign3A_52 = arith.cmpi slt, %jit3A, %sign3A_51 : i32
        %sign3A_53 = arith.extui %sign3A_52 : i1 to i32
        %sign3A_54 = arith.subi %sign3A_50, %sign3A_53 : i32
        %ne3A = arith.cmpi ne, %sign3A_47, %sign3A_54 : i32
        %rem3A = arith.remsi %squeeze3A, %jit3A : i32
        %ne3A_55 = arith.constant 0 : i32
        %ne3A_56 = arith.cmpi ne, %rem3A, %ne3A_55 : i32
        %and3A = arith.andi %ne3A, %ne3A_56 : i1
        %sub3A = arith.constant 1 : i32
        %sub3A_57 = arith.subi %div3A, %sub3A : i32
        %select_n3A = arith.select %and3A, %sub3A_57, %div3A : i32
        %mul3A_58 = arith.constant 16 : i32
        %mul3A_59 = arith.muli %select_n3A, %mul3A_58 : i32
        %jit3A_60 = arith.constant 16 : i32
        %eq3A = arith.constant 0 : i32
        %eq3A_61 = arith.cmpi eq, %jit3A_60, %eq3A : i32
        %jit3A_62 = arith.constant 1 : i32
        %select_n3A_63 = arith.select %eq3A_61, %jit3A_62, %jit3A_60 : i32
        %rem3A_64 = arith.remsi %squeeze3A, %select_n3A_63 : i32
        %ne3A_65 = arith.constant 0 : i32
        %ne3A_66 = arith.cmpi ne, %rem3A_64, %ne3A_65 : i32
        %lt3A = arith.constant 0 : i32
        %lt3A_67 = arith.cmpi slt, %rem3A_64, %lt3A : i32
        %lt3A_68 = arith.constant 0 : i32
        %lt3A_69 = arith.cmpi slt, %select_n3A_63, %lt3A_68 : i32
        %ne3A_70 = arith.xori %lt3A_67, %lt3A_69 : i1
        %and3A_71 = arith.andi %ne3A_70, %ne3A_66 : i1
        %add3A_72 = arith.addi %rem3A_64, %select_n3A_63 : i32
        %select_n3A_73 = arith.select %and3A_71, %add3A_72, %rem3A_64 : i32
        %eq3A_74 = vector.broadcast %select_n3A_73 : i32 to vector<16xi32>
        %eq3A_75 = arith.cmpi eq, %iota3A, %eq3A_74 : vector<16xi32>
        %jit3A_76 = arith.constant 0.000000e+00 : f32
        %broadcast_in_dim3A = vector.broadcast %scan3A_10 : f32 to vector<16xf32>
        %broadcast_in_dim3A_77 = vector.broadcast %jit3A_76 : f32 to vector<16xf32>
        %select_n3A_78 = arith.select %eq3A_75, %broadcast_in_dim3A, %broadcast_in_dim3A_77 : vector<16xi1>, vector<16xf32>
        %mul3A_79 = arith.constant 1024 : i32
        %mul3A_80 = arith.muli %add3A_41, %mul3A_79 : i32
        %add3A_81 = arith.addi %mul3A_80, %mul3A_59 : i32
        %multiple_of3A_82 = tpu.assume_multiple %add3A_81, 16 : i32
        %swap3A = arith.index_cast %multiple_of3A_82 : i32 to index
        %swap3A_83 = tpu.vector_load %arg5[%swap3A] {strides = array<i32>} : memref<65536xf32, #tpu.memory_space<vmem>>, vector<16xf32>,
        %swap3A_84 = vector.shape_cast %swap3A_83 : vector<16xf32> to vector<16xf32>
        %swap3A_85 = vector.shape_cast %select_n3A_78 : vector<16xf32> to vector<16xf32>
        tpu.vector_store %arg5[%swap3A], %swap3A_85 {strides = array<i32>} : memref<65536xf32, #tpu.memory_space<vmem>>, vector<16xf32>,
        %slice3A_86 = vector.extract_strided_slice %get3A_37 {offsets = [1], sizes = [1], strides = [1]} : vector<16xi32> to vector<1xi32>
        %squeeze3A_87 = vector.extract %slice3A_86[0] : i32 from vector<1xi32>
        %mul3A_88 = arith.constant 16 : i32
        %mul3A_89 = arith.muli %scan3A_29, %mul3A_88 : i32
        %add3A_90 = arith.constant 1 : i32
        %add3A_91 = arith.addi %mul3A_89, %add3A_90 : i32
        %jit3A_92 = arith.constant 16 : i32
        %div3A_93 = arith.divsi %squeeze3A_87, %jit3A_92 : i32
        %sign3A_94 = arith.constant 0 : i32
        %sign3A_95 = arith.cmpi sgt, %squeeze3A_87, %sign3A_94 : i32
        %sign3A_96 = arith.extui %sign3A_95 : i1 to i32
        %sign3A_97 = arith.constant 0 : i32
        %sign3A_98 = arith.cmpi slt, %squeeze3A_87, %sign3A_97 : i32
        %sign3A_99 = arith.extui %sign3A_98 : i1 to i32
        %sign3A_100 = arith.subi %sign3A_96, %sign3A_99 : i32
        %sign3A_101 = arith.constant 0 : i32
        %sign3A_102 = arith.cmpi sgt, %jit3A_92, %sign3A_101 : i32
        %sign3A_103 = arith.extui %sign3A_102 : i1 to i32
        %sign3A_104 = arith.constant 0 : i32
        %sign3A_105 = arith.cmpi slt, %jit3A_92, %sign3A_104 : i32
        %sign3A_106 = arith.extui %sign3A_105 : i1 to i32
        %sign3A_107 = arith.subi %sign3A_103, %sign3A_106 : i32
        %ne3A_108 = arith.cmpi ne, %sign3A_100, %sign3A_107 : i32
        %rem3A_109 = arith.remsi %squeeze3A_87, %jit3A_92 : i32
        %ne3A_110 = arith.constant 0 : i32
        %ne3A_111 = arith.cmpi ne, %rem3A_109, %ne3A_110 : i32
        %and3A_112 = arith.andi %ne3A_108, %ne3A_111 : i1
        %sub3A_113 = arith.constant 1 : i32
        %sub3A_114 = arith.subi %div3A_93, %sub3A_113 : i32
        %select_n3A_115 = arith.select %and3A_112, %sub3A_114, %div3A_93 : i32
        %mul3A_116 = arith.constant 16 : i32
        %mul3A_117 = arith.muli %select_n3A_115, %mul3A_116 : i32
        %jit3A_118 = arith.constant 16 : i32
        %eq3A_119 = arith.constant 0 : i32
        %eq3A_120 = arith.cmpi eq, %jit3A_118, %eq3A_119 : i32
        %jit3A_121 = arith.constant 1 : i32
        %select_n3A_122 = arith.select %eq3A_120, %jit3A_121, %jit3A_118 : i32
        %rem3A_123 = arith.remsi %squeeze3A_87, %select_n3A_122 : i32
        %ne3A_124 = arith.constant 0 : i32
        %ne3A_125 = arith.cmpi ne, %rem3A_123, %ne3A_124 : i32
        %lt3A_126 = arith.constant 0 : i32
        %lt3A_127 = arith.cmpi slt, %rem3A_123, %lt3A_126 : i32
        %lt3A_128 = arith.constant 0 : i32
        %lt3A_129 = arith.cmpi slt, %select_n3A_122, %lt3A_128 : i32
        %ne3A_130 = arith.xori %lt3A_127, %lt3A_129 : i1
        %and3A_131 = arith.andi %ne3A_130, %ne3A_125 : i1
        %add3A_132 = arith.addi %rem3A_123, %select_n3A_122 : i32
        %select_n3A_133 = arith.select %and3A_131, %add3A_132, %rem3A_123 : i32
        %eq3A_134 = vector.broadcast %select_n3A_133 : i32 to vector<16xi32>
        %eq3A_135 = arith.cmpi eq, %iota3A, %eq3A_134 : vector<16xi32>
        %jit3A_136 = arith.constant 0.000000e+00 : f32
        %broadcast_in_dim3A_137 = vector.broadcast %scan3A_10 : f32 to vector<16xf32>
        %broadcast_in_dim3A_138 = vector.broadcast %jit3A_136 : f32 to vector<16xf32>
        %select_n3A_139 = arith.select %eq3A_135, %broadcast_in_dim3A_137, %broadcast_in_dim3A_138 : vector<16xi1>, vector<16xf32>
        %mul3A_140 = arith.constant 1024 : i32
        %mul3A_141 = arith.muli %add3A_91, %mul3A_140 : i32
        %add3A_142 = arith.addi %mul3A_141, %mul3A_117 : i32
        %multiple_of3A_143 = tpu.assume_multiple %add3A_142, 16 : i32
        %swap3A_144 = arith.index_cast %multiple_of3A_143 : i32 to index
        %swap3A_145 = tpu.vector_load %arg5[%swap3A_144] {strides = array<i32>} : memref<65536xf32, #tpu.memory_space<vmem>>, vector<16xf32>,
        %swap3A_146 = vector.shape_cast %swap3A_145 : vector<16xf32> to vector<16xf32>
        %swap3A_147 = vector.shape_cast %select_n3A_139 : vector<16xf32> to vector<16xf32>
        tpu.vector_store %arg5[%swap3A_144], %swap3A_147 {strides = array<i32>} : memref<65536xf32, #tpu.memory_space<vmem>>, vector<16xf32>,
        %slice3A_148 = vector.extract_strided_slice %get3A_37 {offsets = [2], sizes = [1], strides = [1]} : vector<16xi32> to vector<1xi32>
        %squeeze3A_149 = vector.extract %slice3A_148[0] : i32 from vector<1xi32>
        %mul3A_150 = arith.constant 16 : i32
        %mul3A_151 = arith.muli %scan3A_29, %mul3A_150 : i32
        %add3A_152 = arith.constant 2 : i32
        %add3A_153 = arith.addi %mul3A_151, %add3A_152 : i32
        %jit3A_154 = arith.constant 16 : i32
        %div3A_155 = arith.divsi %squeeze3A_149, %jit3A_154 : i32
        %sign3A_156 = arith.constant 0 : i32
        %sign3A_157 = arith.cmpi sgt, %squeeze3A_149, %sign3A_156 : i32
        %sign3A_158 = arith.extui %sign3A_157 : i1 to i32
        %sign3A_159 = arith.constant 0 : i32
        %sign3A_160 = arith.cmpi slt, %squeeze3A_149, %sign3A_159 : i32
        %sign3A_161 = arith.extui %sign3A_160 : i1 to i32
        %sign3A_162 = arith.subi %sign3A_158, %sign3A_161 : i32
        %sign3A_163 = arith.constant 0 : i32
        %sign3A_164 = arith.cmpi sgt, %jit3A_154, %sign3A_163 : i32
        %sign3A_165 = arith.extui %sign3A_164 : i1 to i32
        %sign3A_166 = arith.constant 0 : i32
        %sign3A_167 = arith.cmpi slt, %jit3A_154, %sign3A_166 : i32
        %sign3A_168 = arith.extui %sign3A_167 : i1 to i32
        %sign3A_169 = arith.subi %sign3A_165, %sign3A_168 : i32
        %ne3A_170 = arith.cmpi ne, %sign3A_162, %sign3A_169 : i32
        %rem3A_171 = arith.remsi %squeeze3A_149, %jit3A_154 : i32
        %ne3A_172 = arith.constant 0 : i32
        %ne3A_173 = arith.cmpi ne, %rem3A_171, %ne3A_172 : i32
        %and3A_174 = arith.andi %ne3A_170, %ne3A_173 : i1
        %sub3A_175 = arith.constant 1 : i32
        %sub3A_176 = arith.subi %div3A_155, %sub3A_175 : i32
        %select_n3A_177 = arith.select %and3A_174, %sub3A_176, %div3A_155 : i32
        %mul3A_178 = arith.constant 16 : i32
        %mul3A_179 = arith.muli %select_n3A_177, %mul3A_178 : i32
        %jit3A_180 = arith.constant 16 : i32
        %eq3A_181 = arith.constant 0 : i32
        %eq3A_182 = arith.cmpi eq, %jit3A_180, %eq3A_181 : i32
        %jit3A_183 = arith.constant 1 : i32
        %select_n3A_184 = arith.select %eq3A_182, %jit3A_183, %jit3A_180 : i32
        %rem3A_185 = arith.remsi %squeeze3A_149, %select_n3A_184 : i32
        %ne3A_186 = arith.constant 0 : i32
        %ne3A_187 = arith.cmpi ne, %rem3A_185, %ne3A_186 : i32
        %lt3A_188 = arith.constant 0 : i32
        %lt3A_189 = arith.cmpi slt, %rem3A_185, %lt3A_188 : i32
        %lt3A_190 = arith.constant 0 : i32
        %lt3A_191 = arith.cmpi slt, %select_n3A_184, %lt3A_190 : i32
        %ne3A_192 = arith.xori %lt3A_189, %lt3A_191 : i1
        %and3A_193 = arith.andi %ne3A_192, %ne3A_187 : i1
        %add3A_194 = arith.addi %rem3A_185, %select_n3A_184 : i32
        %select_n3A_195 = arith.select %and3A_193, %add3A_194, %rem3A_185 : i32
        %eq3A_196 = vector.broadcast %select_n3A_195 : i32 to vector<16xi32>
        %eq3A_197 = arith.cmpi eq, %iota3A, %eq3A_196 : vector<16xi32>
        %jit3A_198 = arith.constant 0.000000e+00 : f32
        %broadcast_in_dim3A_199 = vector.broadcast %scan3A_10 : f32 to vector<16xf32>
        %broadcast_in_dim3A_200 = vector.broadcast %jit3A_198 : f32 to vector<16xf32>
        %select_n3A_201 = arith.select %eq3A_197, %broadcast_in_dim3A_199, %broadcast_in_dim3A_200 : vector<16xi1>, vector<16xf32>
        %mul3A_202 = arith.constant 1024 : i32
        %mul3A_203 = arith.muli %add3A_153, %mul3A_202 : i32
        %add3A_204 = arith.addi %mul3A_203, %mul3A_179 : i32
        %multiple_of3A_205 = tpu.assume_multiple %add3A_204, 16 : i32
        %swap3A_206 = arith.index_cast %multiple_of3A_205 : i32 to index
        %swap3A_207 = tpu.vector_load %arg5[%swap3A_206] {strides = array<i32>} : memref<65536xf32, #tpu.memory_space<vmem>>, vector<16xf32>,
        %swap3A_208 = vector.shape_cast %swap3A_207 : vector<16xf32> to vector<16xf32>
        %swap3A_209 = vector.shape_cast %select_n3A_201 : vector<16xf32> to vector<16xf32>
        tpu.vector_store %arg5[%swap3A_206], %swap3A_209 {strides = array<i32>} : memref<65536xf32, #tpu.memory_space<vmem>>, vector<16xf32>,
        %slice3A_210 = vector.extract_strided_slice %get3A_37 {offsets = [3], sizes = [1], strides = [1]} : vector<16xi32> to vector<1xi32>
        %squeeze3A_211 = vector.extract %slice3A_210[0] : i32 from vector<1xi32>
        %mul3A_212 = arith.constant 16 : i32
        %mul3A_213 = arith.muli %scan3A_29, %mul3A_212 : i32
        %add3A_214 = arith.constant 3 : i32
        %add3A_215 = arith.addi %mul3A_213, %add3A_214 : i32
        %jit3A_216 = arith.constant 16 : i32
        %div3A_217 = arith.divsi %squeeze3A_211, %jit3A_216 : i32
        %sign3A_218 = arith.constant 0 : i32
        %sign3A_219 = arith.cmpi sgt, %squeeze3A_211, %sign3A_218 : i32
        %sign3A_220 = arith.extui %sign3A_219 : i1 to i32
        %sign3A_221 = arith.constant 0 : i32
        %sign3A_222 = arith.cmpi slt, %squeeze3A_211, %sign3A_221 : i32
        %sign3A_223 = arith.extui %sign3A_222 : i1 to i32
        %sign3A_224 = arith.subi %sign3A_220, %sign3A_223 : i32
        %sign3A_225 = arith.constant 0 : i32
        %sign3A_226 = arith.cmpi sgt, %jit3A_216, %sign3A_225 : i32
        %sign3A_227 = arith.extui %sign3A_226 : i1 to i32
        %sign3A_228 = arith.constant 0 : i32
        %sign3A_229 = arith.cmpi slt, %jit3A_216, %sign3A_228 : i32
        %sign3A_230 = arith.extui %sign3A_229 : i1 to i32
        %sign3A_231 = arith.subi %sign3A_227, %sign3A_230 : i32
        %ne3A_232 = arith.cmpi ne, %sign3A_224, %sign3A_231 : i32
        %rem3A_233 = arith.remsi %squeeze3A_211, %jit3A_216 : i32
        %ne3A_234 = arith.constant 0 : i32
        %ne3A_235 = arith.cmpi ne, %rem3A_233, %ne3A_234 : i32
        %and3A_236 = arith.andi %ne3A_232, %ne3A_235 : i1
        %sub3A_237 = arith.constant 1 : i32
        %sub3A_238 = arith.subi %div3A_217, %sub3A_237 : i32
        %select_n3A_239 = arith.select %and3A_236, %sub3A_238, %div3A_217 : i32
        %mul3A_240 = arith.constant 16 : i32
        %mul3A_241 = arith.muli %select_n3A_239, %mul3A_240 : i32
        %jit3A_242 = arith.constant 16 : i32
        %eq3A_243 = arith.constant 0 : i32
        %eq3A_244 = arith.cmpi eq, %jit3A_242, %eq3A_243 : i32
        %jit3A_245 = arith.constant 1 : i32
        %select_n3A_246 = arith.select %eq3A_244, %jit3A_245, %jit3A_242 : i32
        %rem3A_247 = arith.remsi %squeeze3A_211, %select_n3A_246 : i32
        %ne3A_248 = arith.constant 0 : i32
        %ne3A_249 = arith.cmpi ne, %rem3A_247, %ne3A_248 : i32
        %lt3A_250 = arith.constant 0 : i32
        %lt3A_251 = arith.cmpi slt, %rem3A_247, %lt3A_250 : i32
        %lt3A_252 = arith.constant 0 : i32
        %lt3A_253 = arith.cmpi slt, %select_n3A_246, %lt3A_252 : i32
        %ne3A_254 = arith.xori %lt3A_251, %lt3A_253 : i1
        %and3A_255 = arith.andi %ne3A_254, %ne3A_249 : i1
        %add3A_256 = arith.addi %rem3A_247, %select_n3A_246 : i32
        %select_n3A_257 = arith.select %and3A_255, %add3A_256, %rem3A_247 : i32
        %eq3A_258 = vector.broadcast %select_n3A_257 : i32 to vector<16xi32>
        %eq3A_259 = arith.cmpi eq, %iota3A, %eq3A_258 : vector<16xi32>
        %jit3A_260 = arith.constant 0.000000e+00 : f32
        %broadcast_in_dim3A_261 = vector.broadcast %scan3A_10 : f32 to vector<16xf32>
        %broadcast_in_dim3A_262 = vector.broadcast %jit3A_260 : f32 to vector<16xf32>
        %select_n3A_263 = arith.select %eq3A_259, %broadcast_in_dim3A_261, %broadcast_in_dim3A_262 : vector<16xi1>, vector<16xf32>
        %mul3A_264 = arith.constant 1024 : i32
        %mul3A_265 = arith.muli %add3A_215, %mul3A_264 : i32
        %add3A_266 = arith.addi %mul3A_265, %mul3A_241 : i32
        %multiple_of3A_267 = tpu.assume_multiple %add3A_266, 16 : i32
        %swap3A_268 = arith.index_cast %multiple_of3A_267 : i32 to index
        %swap3A_269 = tpu.vector_load %arg5[%swap3A_268] {strides = array<i32>} : memref<65536xf32, #tpu.memory_space<vmem>>, vector<16xf32>,
        %swap3A_270 = vector.shape_cast %swap3A_269 : vector<16xf32> to vector<16xf32>
        %swap3A_271 = vector.shape_cast %select_n3A_263 : vector<16xf32> to vector<16xf32>
        tpu.vector_store %arg5[%swap3A_268], %swap3A_271 {strides = array<i32>} : memref<65536xf32, #tpu.memory_space<vmem>>, vector<16xf32>,
        %slice3A_272 = vector.extract_strided_slice %get3A_37 {offsets = [4], sizes = [1], strides = [1]} : vector<16xi32> to vector<1xi32>
        %squeeze3A_273 = vector.extract %slice3A_272[0] : i32 from vector<1xi32>
        %mul3A_274 = arith.constant 16 : i32
        %mul3A_275 = arith.muli %scan3A_29, %mul3A_274 : i32
        %add3A_276 = arith.constant 4 : i32
        %add3A_277 = arith.addi %mul3A_275, %add3A_276 : i32
        %jit3A_278 = arith.constant 16 : i32
        %div3A_279 = arith.divsi %squeeze3A_273, %jit3A_278 : i32
        %sign3A_280 = arith.constant 0 : i32
        %sign3A_281 = arith.cmpi sgt, %squeeze3A_273, %sign3A_280 : i32
        %sign3A_282 = arith.extui %sign3A_281 : i1 to i32
        %sign3A_283 = arith.constant 0 : i32
        %sign3A_284 = arith.cmpi slt, %squeeze3A_273, %sign3A_283 : i32
        %sign3A_285 = arith.extui %sign3A_284 : i1 to i32
        %sign3A_286 = arith.subi %sign3A_282, %sign3A_285 : i32
        %sign3A_287 = arith.constant 0 : i32
        %sign3A_288 = arith.cmpi sgt, %jit3A_278, %sign3A_287 : i32
        %sign3A_289 = arith.extui %sign3A_288 : i1 to i32
        %sign3A_290 = arith.constant 0 : i32
        %sign3A_291 = arith.cmpi slt, %jit3A_278, %sign3A_290 : i32
        %sign3A_292 = arith.extui %sign3A_291 : i1 to i32
        %sign3A_293 = arith.subi %sign3A_289, %sign3A_292 : i32
        %ne3A_294 = arith.cmpi ne, %sign3A_286, %sign3A_293 : i32
        %rem3A_295 = arith.remsi %squeeze3A_273, %jit3A_278 : i32
        %ne3A_296 = arith.constant 0 : i32
        %ne3A_297 = arith.cmpi ne, %rem3A_295, %ne3A_296 : i32
        %and3A_298 = arith.andi %ne3A_294, %ne3A_297 : i1
        %sub3A_299 = arith.constant 1 : i32
        %sub3A_300 = arith.subi %div3A_279, %sub3A_299 : i32
        %select_n3A_301 = arith.select %and3A_298, %sub3A_300, %div3A_279 : i32
        %mul3A_302 = arith.constant 16 : i32
        %mul3A_303 = arith.muli %select_n3A_301, %mul3A_302 : i32
        %jit3A_304 = arith.constant 16 : i32
        %eq3A_305 = arith.constant 0 : i32
        %eq3A_306 = arith.cmpi eq, %jit3A_304, %eq3A_305 : i32
        %jit3A_307 = arith.constant 1 : i32
        %select_n3A_308 = arith.select %eq3A_306, %jit3A_307, %jit3A_304 : i32
        %rem3A_309 = arith.remsi %squeeze3A_273, %select_n3A_308 : i32
        %ne3A_310 = arith.constant 0 : i32
        %ne3A_311 = arith.cmpi ne, %rem3A_309, %ne3A_310 : i32
        %lt3A_312 = arith.constant 0 : i32
        %lt3A_313 = arith.cmpi slt, %rem3A_309, %lt3A_312 : i32
        %lt3A_314 = arith.constant 0 : i32
        %lt3A_315 = arith.cmpi slt, %select_n3A_308, %lt3A_314 : i32
        %ne3A_316 = arith.xori %lt3A_313, %lt3A_315 : i1
        %and3A_317 = arith.andi %ne3A_316, %ne3A_311 : i1
        %add3A_318 = arith.addi %rem3A_309, %select_n3A_308 : i32
        %select_n3A_319 = arith.select %and3A_317, %add3A_318, %rem3A_309 : i32
        %eq3A_320 = vector.broadcast %select_n3A_319 : i32 to vector<16xi32>
        %eq3A_321 = arith.cmpi eq, %iota3A, %eq3A_320 : vector<16xi32>
        %jit3A_322 = arith.constant 0.000000e+00 : f32
        %broadcast_in_dim3A_323 = vector.broadcast %scan3A_10 : f32 to vector<16xf32>
        %broadcast_in_dim3A_324 = vector.broadcast %jit3A_322 : f32 to vector<16xf32>
        %select_n3A_325 = arith.select %eq3A_321, %broadcast_in_dim3A_323, %broadcast_in_dim3A_324 : vector<16xi1>, vector<16xf32>
        %mul3A_326 = arith.constant 1024 : i32
        %mul3A_327 = arith.muli %add3A_277, %mul3A_326 : i32
        %add3A_328 = arith.addi %mul3A_327, %mul3A_303 : i32
        %multiple_of3A_329 = tpu.assume_multiple %add3A_328, 16 : i32
        %swap3A_330 = arith.index_cast %multiple_of3A_329 : i32 to index
        %swap3A_331 = tpu.vector_load %arg5[%swap3A_330] {strides = array<i32>} : memref<65536xf32, #tpu.memory_space<vmem>>, vector<16xf32>,
        %swap3A_332 = vector.shape_cast %swap3A_331 : vector<16xf32> to vector<16xf32>
        %swap3A_333 = vector.shape_cast %select_n3A_325 : vector<16xf32> to vector<16xf32>
        tpu.vector_store %arg5[%swap3A_330], %swap3A_333 {strides = array<i32>} : memref<65536xf32, #tpu.memory_space<vmem>>, vector<16xf32>,
        %slice3A_334 = vector.extract_strided_slice %get3A_37 {offsets = [5], sizes = [1], strides = [1]} : vector<16xi32> to vector<1xi32>
        %squeeze3A_335 = vector.extract %slice3A_334[0] : i32 from vector<1xi32>
        %mul3A_336 = arith.constant 16 : i32
        %mul3A_337 = arith.muli %scan3A_29, %mul3A_336 : i32
        %add3A_338 = arith.constant 5 : i32
        %add3A_339 = arith.addi %mul3A_337, %add3A_338 : i32
        %jit3A_340 = arith.constant 16 : i32
        %div3A_341 = arith.divsi %squeeze3A_335, %jit3A_340 : i32
        %sign3A_342 = arith.constant 0 : i32
        %sign3A_343 = arith.cmpi sgt, %squeeze3A_335, %sign3A_342 : i32
        %sign3A_344 = arith.extui %sign3A_343 : i1 to i32
        %sign3A_345 = arith.constant 0 : i32
        %sign3A_346 = arith.cmpi slt, %squeeze3A_335, %sign3A_345 : i32
        %sign3A_347 = arith.extui %sign3A_346 : i1 to i32
        %sign3A_348 = arith.subi %sign3A_344, %sign3A_347 : i32
        %sign3A_349 = arith.constant 0 : i32
        %sign3A_350 = arith.cmpi sgt, %jit3A_340, %sign3A_349 : i32
        %sign3A_351 = arith.extui %sign3A_350 : i1 to i32
        %sign3A_352 = arith.constant 0 : i32
        %sign3A_353 = arith.cmpi slt, %jit3A_340, %sign3A_352 : i32
        %sign3A_354 = arith.extui %sign3A_353 : i1 to i32
        %sign3A_355 = arith.subi %sign3A_351, %sign3A_354 : i32
        %ne3A_356 = arith.cmpi ne, %sign3A_348, %sign3A_355 : i32
        %rem3A_357 = arith.remsi %squeeze3A_335, %jit3A_340 : i32
        %ne3A_358 = arith.constant 0 : i32
        %ne3A_359 = arith.cmpi ne, %rem3A_357, %ne3A_358 : i32
        %and3A_360 = arith.andi %ne3A_356, %ne3A_359 : i1
        %sub3A_361 = arith.constant 1 : i32
        %sub3A_362 = arith.subi %div3A_341, %sub3A_361 : i32
        %select_n3A_363 = arith.select %and3A_360, %sub3A_362, %div3A_341 : i32
        %mul3A_364 = arith.constant 16 : i32
        %mul3A_365 = arith.muli %select_n3A_363, %mul3A_364 : i32
        %jit3A_366 = arith.constant 16 : i32
        %eq3A_367 = arith.constant 0 : i32
        %eq3A_368 = arith.cmpi eq, %jit3A_366, %eq3A_367 : i32
        %jit3A_369 = arith.constant 1 : i32
        %select_n3A_370 = arith.select %eq3A_368, %jit3A_369, %jit3A_366 : i32
        %rem3A_371 = arith.remsi %squeeze3A_335, %select_n3A_370 : i32
        %ne3A_372 = arith.constant 0 : i32
        %ne3A_373 = arith.cmpi ne, %rem3A_371, %ne3A_372 : i32
        %lt3A_374 = arith.constant 0 : i32
        %lt3A_375 = arith.cmpi slt, %rem3A_371, %lt3A_374 : i32
        %lt3A_376 = arith.constant 0 : i32
        %lt3A_377 = arith.cmpi slt, %select_n3A_370, %lt3A_376 : i32
        %ne3A_378 = arith.xori %lt3A_375, %lt3A_377 : i1
        %and3A_379 = arith.andi %ne3A_378, %ne3A_373 : i1
        %add3A_380 = arith.addi %rem3A_371, %select_n3A_370 : i32
        %select_n3A_381 = arith.select %and3A_379, %add3A_380, %rem3A_371 : i32
        %eq3A_382 = vector.broadcast %select_n3A_381 : i32 to vector<16xi32>
        %eq3A_383 = arith.cmpi eq, %iota3A, %eq3A_382 : vector<16xi32>
        %jit3A_384 = arith.constant 0.000000e+00 : f32
        %broadcast_in_dim3A_385 = vector.broadcast %scan3A_10 : f32 to vector<16xf32>
        %broadcast_in_dim3A_386 = vector.broadcast %jit3A_384 : f32 to vector<16xf32>
        %select_n3A_387 = arith.select %eq3A_383, %broadcast_in_dim3A_385, %broadcast_in_dim3A_386 : vector<16xi1>, vector<16xf32>
        %mul3A_388 = arith.constant 1024 : i32
        %mul3A_389 = arith.muli %add3A_339, %mul3A_388 : i32
        %add3A_390 = arith.addi %mul3A_389, %mul3A_365 : i32
        %multiple_of3A_391 = tpu.assume_multiple %add3A_390, 16 : i32
        %swap3A_392 = arith.index_cast %multiple_of3A_391 : i32 to index
        %swap3A_393 = tpu.vector_load %arg5[%swap3A_392] {strides = array<i32>} : memref<65536xf32, #tpu.memory_space<vmem>>, vector<16xf32>,
        %swap3A_394 = vector.shape_cast %swap3A_393 : vector<16xf32> to vector<16xf32>
        %swap3A_395 = vector.shape_cast %select_n3A_387 : vector<16xf32> to vector<16xf32>
        tpu.vector_store %arg5[%swap3A_392], %swap3A_395 {strides = array<i32>} : memref<65536xf32, #tpu.memory_space<vmem>>, vector<16xf32>,
        %slice3A_396 = vector.extract_strided_slice %get3A_37 {offsets = [6], sizes = [1], strides = [1]} : vector<16xi32> to vector<1xi32>
        %squeeze3A_397 = vector.extract %slice3A_396[0] : i32 from vector<1xi32>
        %mul3A_398 = arith.constant 16 : i32
        %mul3A_399 = arith.muli %scan3A_29, %mul3A_398 : i32
        %add3A_400 = arith.constant 6 : i32
        %add3A_401 = arith.addi %mul3A_399, %add3A_400 : i32
        %jit3A_402 = arith.constant 16 : i32
        %div3A_403 = arith.divsi %squeeze3A_397, %jit3A_402 : i32
        %sign3A_404 = arith.constant 0 : i32
        %sign3A_405 = arith.cmpi sgt, %squeeze3A_397, %sign3A_404 : i32
        %sign3A_406 = arith.extui %sign3A_405 : i1 to i32
        %sign3A_407 = arith.constant 0 : i32
        %sign3A_408 = arith.cmpi slt, %squeeze3A_397, %sign3A_407 : i32
        %sign3A_409 = arith.extui %sign3A_408 : i1 to i32
        %sign3A_410 = arith.subi %sign3A_406, %sign3A_409 : i32
        %sign3A_411 = arith.constant 0 : i32
        %sign3A_412 = arith.cmpi sgt, %jit3A_402, %sign3A_411 : i32
        %sign3A_413 = arith.extui %sign3A_412 : i1 to i32
        %sign3A_414 = arith.constant 0 : i32
        %sign3A_415 = arith.cmpi slt, %jit3A_402, %sign3A_414 : i32
        %sign3A_416 = arith.extui %sign3A_415 : i1 to i32
        %sign3A_417 = arith.subi %sign3A_413, %sign3A_416 : i32
        %ne3A_418 = arith.cmpi ne, %sign3A_410, %sign3A_417 : i32
        %rem3A_419 = arith.remsi %squeeze3A_397, %jit3A_402 : i32
        %ne3A_420 = arith.constant 0 : i32
        %ne3A_421 = arith.cmpi ne, %rem3A_419, %ne3A_420 : i32
        %and3A_422 = arith.andi %ne3A_418, %ne3A_421 : i1
        %sub3A_423 = arith.constant 1 : i32
        %sub3A_424 = arith.subi %div3A_403, %sub3A_423 : i32
        %select_n3A_425 = arith.select %and3A_422, %sub3A_424, %div3A_403 : i32
        %mul3A_426 = arith.constant 16 : i32
        %mul3A_427 = arith.muli %select_n3A_425, %mul3A_426 : i32
        %jit3A_428 = arith.constant 16 : i32
        %eq3A_429 = arith.constant 0 : i32
        %eq3A_430 = arith.cmpi eq, %jit3A_428, %eq3A_429 : i32
        %jit3A_431 = arith.constant 1 : i32
        %select_n3A_432 = arith.select %eq3A_430, %jit3A_431, %jit3A_428 : i32
        %rem3A_433 = arith.remsi %squeeze3A_397, %select_n3A_432 : i32
        %ne3A_434 = arith.constant 0 : i32
        %ne3A_435 = arith.cmpi ne, %rem3A_433, %ne3A_434 : i32
        %lt3A_436 = arith.constant 0 : i32
        %lt3A_437 = arith.cmpi slt, %rem3A_433, %lt3A_436 : i32
        %lt3A_438 = arith.constant 0 : i32
        %lt3A_439 = arith.cmpi slt, %select_n3A_432, %lt3A_438 : i32
        %ne3A_440 = arith.xori %lt3A_437, %lt3A_439 : i1
        %and3A_441 = arith.andi %ne3A_440, %ne3A_435 : i1
        %add3A_442 = arith.addi %rem3A_433, %select_n3A_432 : i32
        %select_n3A_443 = arith.select %and3A_441, %add3A_442, %rem3A_433 : i32
        %eq3A_444 = vector.broadcast %select_n3A_443 : i32 to vector<16xi32>
        %eq3A_445 = arith.cmpi eq, %iota3A, %eq3A_444 : vector<16xi32>
        %jit3A_446 = arith.constant 0.000000e+00 : f32
        %broadcast_in_dim3A_447 = vector.broadcast %scan3A_10 : f32 to vector<16xf32>
        %broadcast_in_dim3A_448 = vector.broadcast %jit3A_446 : f32 to vector<16xf32>
        %select_n3A_449 = arith.select %eq3A_445, %broadcast_in_dim3A_447, %broadcast_in_dim3A_448 : vector<16xi1>, vector<16xf32>
        %mul3A_450 = arith.constant 1024 : i32
        %mul3A_451 = arith.muli %add3A_401, %mul3A_450 : i32
        %add3A_452 = arith.addi %mul3A_451, %mul3A_427 : i32
        %multiple_of3A_453 = tpu.assume_multiple %add3A_452, 16 : i32
        %swap3A_454 = arith.index_cast %multiple_of3A_453 : i32 to index
        %swap3A_455 = tpu.vector_load %arg5[%swap3A_454] {strides = array<i32>} : memref<65536xf32, #tpu.memory_space<vmem>>, vector<16xf32>,
        %swap3A_456 = vector.shape_cast %swap3A_455 : vector<16xf32> to vector<16xf32>
        %swap3A_457 = vector.shape_cast %select_n3A_449 : vector<16xf32> to vector<16xf32>
        tpu.vector_store %arg5[%swap3A_454], %swap3A_457 {strides = array<i32>} : memref<65536xf32, #tpu.memory_space<vmem>>, vector<16xf32>,
        %slice3A_458 = vector.extract_strided_slice %get3A_37 {offsets = [7], sizes = [1], strides = [1]} : vector<16xi32> to vector<1xi32>
        %squeeze3A_459 = vector.extract %slice3A_458[0] : i32 from vector<1xi32>
        %mul3A_460 = arith.constant 16 : i32
        %mul3A_461 = arith.muli %scan3A_29, %mul3A_460 : i32
        %add3A_462 = arith.constant 7 : i32
        %add3A_463 = arith.addi %mul3A_461, %add3A_462 : i32
        %jit3A_464 = arith.constant 16 : i32
        %div3A_465 = arith.divsi %squeeze3A_459, %jit3A_464 : i32
        %sign3A_466 = arith.constant 0 : i32
        %sign3A_467 = arith.cmpi sgt, %squeeze3A_459, %sign3A_466 : i32
        %sign3A_468 = arith.extui %sign3A_467 : i1 to i32
        %sign3A_469 = arith.constant 0 : i32
        %sign3A_470 = arith.cmpi slt, %squeeze3A_459, %sign3A_469 : i32
        %sign3A_471 = arith.extui %sign3A_470 : i1 to i32
        %sign3A_472 = arith.subi %sign3A_468, %sign3A_471 : i32
        %sign3A_473 = arith.constant 0 : i32
        %sign3A_474 = arith.cmpi sgt, %jit3A_464, %sign3A_473 : i32
        %sign3A_475 = arith.extui %sign3A_474 : i1 to i32
        %sign3A_476 = arith.constant 0 : i32
        %sign3A_477 = arith.cmpi slt, %jit3A_464, %sign3A_476 : i32
        %sign3A_478 = arith.extui %sign3A_477 : i1 to i32
        %sign3A_479 = arith.subi %sign3A_475, %sign3A_478 : i32
        %ne3A_480 = arith.cmpi ne, %sign3A_472, %sign3A_479 : i32
        %rem3A_481 = arith.remsi %squeeze3A_459, %jit3A_464 : i32
        %ne3A_482 = arith.constant 0 : i32
        %ne3A_483 = arith.cmpi ne, %rem3A_481, %ne3A_482 : i32
        %and3A_484 = arith.andi %ne3A_480, %ne3A_483 : i1
        %sub3A_485 = arith.constant 1 : i32
        %sub3A_486 = arith.subi %div3A_465, %sub3A_485 : i32
        %select_n3A_487 = arith.select %and3A_484, %sub3A_486, %div3A_465 : i32
        %mul3A_488 = arith.constant 16 : i32
        %mul3A_489 = arith.muli %select_n3A_487, %mul3A_488 : i32
        %jit3A_490 = arith.constant 16 : i32
        %eq3A_491 = arith.constant 0 : i32
        %eq3A_492 = arith.cmpi eq, %jit3A_490, %eq3A_491 : i32
        %jit3A_493 = arith.constant 1 : i32
        %select_n3A_494 = arith.select %eq3A_492, %jit3A_493, %jit3A_490 : i32
        %rem3A_495 = arith.remsi %squeeze3A_459, %select_n3A_494 : i32
        %ne3A_496 = arith.constant 0 : i32
        %ne3A_497 = arith.cmpi ne, %rem3A_495, %ne3A_496 : i32
        %lt3A_498 = arith.constant 0 : i32
        %lt3A_499 = arith.cmpi slt, %rem3A_495, %lt3A_498 : i32
        %lt3A_500 = arith.constant 0 : i32
        %lt3A_501 = arith.cmpi slt, %select_n3A_494, %lt3A_500 : i32
        %ne3A_502 = arith.xori %lt3A_499, %lt3A_501 : i1
        %and3A_503 = arith.andi %ne3A_502, %ne3A_497 : i1
        %add3A_504 = arith.addi %rem3A_495, %select_n3A_494 : i32
        %select_n3A_505 = arith.select %and3A_503, %add3A_504, %rem3A_495 : i32
        %eq3A_506 = vector.broadcast %select_n3A_505 : i32 to vector<16xi32>
        %eq3A_507 = arith.cmpi eq, %iota3A, %eq3A_506 : vector<16xi32>
        %jit3A_508 = arith.constant 0.000000e+00 : f32
        %broadcast_in_dim3A_509 = vector.broadcast %scan3A_10 : f32 to vector<16xf32>
        %broadcast_in_dim3A_510 = vector.broadcast %jit3A_508 : f32 to vector<16xf32>
        %select_n3A_511 = arith.select %eq3A_507, %broadcast_in_dim3A_509, %broadcast_in_dim3A_510 : vector<16xi1>, vector<16xf32>
        %mul3A_512 = arith.constant 1024 : i32
        %mul3A_513 = arith.muli %add3A_463, %mul3A_512 : i32
        %add3A_514 = arith.addi %mul3A_513, %mul3A_489 : i32
        %multiple_of3A_515 = tpu.assume_multiple %add3A_514, 16 : i32
        %swap3A_516 = arith.index_cast %multiple_of3A_515 : i32 to index
        %swap3A_517 = tpu.vector_load %arg5[%swap3A_516] {strides = array<i32>} : memref<65536xf32, #tpu.memory_space<vmem>>, vector<16xf32>,
        %swap3A_518 = vector.shape_cast %swap3A_517 : vector<16xf32> to vector<16xf32>
        %swap3A_519 = vector.shape_cast %select_n3A_511 : vector<16xf32> to vector<16xf32>
        tpu.vector_store %arg5[%swap3A_516], %swap3A_519 {strides = array<i32>} : memref<65536xf32, #tpu.memory_space<vmem>>, vector<16xf32>,
        %slice3A_520 = vector.extract_strided_slice %get3A_37 {offsets = [8], sizes = [1], strides = [1]} : vector<16xi32> to vector<1xi32>
        %squeeze3A_521 = vector.extract %slice3A_520[0] : i32 from vector<1xi32>
        %mul3A_522 = arith.constant 16 : i32
        %mul3A_523 = arith.muli %scan3A_29, %mul3A_522 : i32
        %add3A_524 = arith.constant 8 : i32
        %add3A_525 = arith.addi %mul3A_523, %add3A_524 : i32
        %jit3A_526 = arith.constant 16 : i32
        %div3A_527 = arith.divsi %squeeze3A_521, %jit3A_526 : i32
        %sign3A_528 = arith.constant 0 : i32
        %sign3A_529 = arith.cmpi sgt, %squeeze3A_521, %sign3A_528 : i32
        %sign3A_530 = arith.extui %sign3A_529 : i1 to i32
        %sign3A_531 = arith.constant 0 : i32
        %sign3A_532 = arith.cmpi slt, %squeeze3A_521, %sign3A_531 : i32
        %sign3A_533 = arith.extui %sign3A_532 : i1 to i32
        %sign3A_534 = arith.subi %sign3A_530, %sign3A_533 : i32
        %sign3A_535 = arith.constant 0 : i32
        %sign3A_536 = arith.cmpi sgt, %jit3A_526, %sign3A_535 : i32
        %sign3A_537 = arith.extui %sign3A_536 : i1 to i32
        %sign3A_538 = arith.constant 0 : i32
        %sign3A_539 = arith.cmpi slt, %jit3A_526, %sign3A_538 : i32
        %sign3A_540 = arith.extui %sign3A_539 : i1 to i32
        %sign3A_541 = arith.subi %sign3A_537, %sign3A_540 : i32
        %ne3A_542 = arith.cmpi ne, %sign3A_534, %sign3A_541 : i32
        %rem3A_543 = arith.remsi %squeeze3A_521, %jit3A_526 : i32
        %ne3A_544 = arith.constant 0 : i32
        %ne3A_545 = arith.cmpi ne, %rem3A_543, %ne3A_544 : i32
        %and3A_546 = arith.andi %ne3A_542, %ne3A_545 : i1
        %sub3A_547 = arith.constant 1 : i32
        %sub3A_548 = arith.subi %div3A_527, %sub3A_547 : i32
        %select_n3A_549 = arith.select %and3A_546, %sub3A_548, %div3A_527 : i32
        %mul3A_550 = arith.constant 16 : i32
        %mul3A_551 = arith.muli %select_n3A_549, %mul3A_550 : i32
        %jit3A_552 = arith.constant 16 : i32
        %eq3A_553 = arith.constant 0 : i32
        %eq3A_554 = arith.cmpi eq, %jit3A_552, %eq3A_553 : i32
        %jit3A_555 = arith.constant 1 : i32
        %select_n3A_556 = arith.select %eq3A_554, %jit3A_555, %jit3A_552 : i32
        %rem3A_557 = arith.remsi %squeeze3A_521, %select_n3A_556 : i32
        %ne3A_558 = arith.constant 0 : i32
        %ne3A_559 = arith.cmpi ne, %rem3A_557, %ne3A_558 : i32
        %lt3A_560 = arith.constant 0 : i32
        %lt3A_561 = arith.cmpi slt, %rem3A_557, %lt3A_560 : i32
        %lt3A_562 = arith.constant 0 : i32
        %lt3A_563 = arith.cmpi slt, %select_n3A_556, %lt3A_562 : i32
        %ne3A_564 = arith.xori %lt3A_561, %lt3A_563 : i1
        %and3A_565 = arith.andi %ne3A_564, %ne3A_559 : i1
        %add3A_566 = arith.addi %rem3A_557, %select_n3A_556 : i32
        %select_n3A_567 = arith.select %and3A_565, %add3A_566, %rem3A_557 : i32
        %eq3A_568 = vector.broadcast %select_n3A_567 : i32 to vector<16xi32>
        %eq3A_569 = arith.cmpi eq, %iota3A, %eq3A_568 : vector<16xi32>
        %jit3A_570 = arith.constant 0.000000e+00 : f32
        %broadcast_in_dim3A_571 = vector.broadcast %scan3A_10 : f32 to vector<16xf32>
        %broadcast_in_dim3A_572 = vector.broadcast %jit3A_570 : f32 to vector<16xf32>
        %select_n3A_573 = arith.select %eq3A_569, %broadcast_in_dim3A_571, %broadcast_in_dim3A_572 : vector<16xi1>, vector<16xf32>
        %mul3A_574 = arith.constant 1024 : i32
        %mul3A_575 = arith.muli %add3A_525, %mul3A_574 : i32
        %add3A_576 = arith.addi %mul3A_575, %mul3A_551 : i32
        %multiple_of3A_577 = tpu.assume_multiple %add3A_576, 16 : i32
        %swap3A_578 = arith.index_cast %multiple_of3A_577 : i32 to index
        %swap3A_579 = tpu.vector_load %arg5[%swap3A_578] {strides = array<i32>} : memref<65536xf32, #tpu.memory_space<vmem>>, vector<16xf32>,
        %swap3A_580 = vector.shape_cast %swap3A_579 : vector<16xf32> to vector<16xf32>
        %swap3A_581 = vector.shape_cast %select_n3A_573 : vector<16xf32> to vector<16xf32>
        tpu.vector_store %arg5[%swap3A_578], %swap3A_581 {strides = array<i32>} : memref<65536xf32, #tpu.memory_space<vmem>>, vector<16xf32>,
        %slice3A_582 = vector.extract_strided_slice %get3A_37 {offsets = [9], sizes = [1], strides = [1]} : vector<16xi32> to vector<1xi32>
        %squeeze3A_583 = vector.extract %slice3A_582[0] : i32 from vector<1xi32>
        %mul3A_584 = arith.constant 16 : i32
        %mul3A_585 = arith.muli %scan3A_29, %mul3A_584 : i32
        %add3A_586 = arith.constant 9 : i32
        %add3A_587 = arith.addi %mul3A_585, %add3A_586 : i32
        %jit3A_588 = arith.constant 16 : i32
        %div3A_589 = arith.divsi %squeeze3A_583, %jit3A_588 : i32
        %sign3A_590 = arith.constant 0 : i32
        %sign3A_591 = arith.cmpi sgt, %squeeze3A_583, %sign3A_590 : i32
        %sign3A_592 = arith.extui %sign3A_591 : i1 to i32
        %sign3A_593 = arith.constant 0 : i32
        %sign3A_594 = arith.cmpi slt, %squeeze3A_583, %sign3A_593 : i32
        %sign3A_595 = arith.extui %sign3A_594 : i1 to i32
        %sign3A_596 = arith.subi %sign3A_592, %sign3A_595 : i32
        %sign3A_597 = arith.constant 0 : i32
        %sign3A_598 = arith.cmpi sgt, %jit3A_588, %sign3A_597 : i32
        %sign3A_599 = arith.extui %sign3A_598 : i1 to i32
        %sign3A_600 = arith.constant 0 : i32
        %sign3A_601 = arith.cmpi slt, %jit3A_588, %sign3A_600 : i32
        %sign3A_602 = arith.extui %sign3A_601 : i1 to i32
        %sign3A_603 = arith.subi %sign3A_599, %sign3A_602 : i32
        %ne3A_604 = arith.cmpi ne, %sign3A_596, %sign3A_603 : i32
        %rem3A_605 = arith.remsi %squeeze3A_583, %jit3A_588 : i32
        %ne3A_606 = arith.constant 0 : i32
        %ne3A_607 = arith.cmpi ne, %rem3A_605, %ne3A_606 : i32
        %and3A_608 = arith.andi %ne3A_604, %ne3A_607 : i1
        %sub3A_609 = arith.constant 1 : i32
        %sub3A_610 = arith.subi %div3A_589, %sub3A_609 : i32
        %select_n3A_611 = arith.select %and3A_608, %sub3A_610, %div3A_589 : i32
        %mul3A_612 = arith.constant 16 : i32
        %mul3A_613 = arith.muli %select_n3A_611, %mul3A_612 : i32
        %jit3A_614 = arith.constant 16 : i32
        %eq3A_615 = arith.constant 0 : i32
        %eq3A_616 = arith.cmpi eq, %jit3A_614, %eq3A_615 : i32
        %jit3A_617 = arith.constant 1 : i32
        %select_n3A_618 = arith.select %eq3A_616, %jit3A_617, %jit3A_614 : i32
        %rem3A_619 = arith.remsi %squeeze3A_583, %select_n3A_618 : i32
        %ne3A_620 = arith.constant 0 : i32
        %ne3A_621 = arith.cmpi ne, %rem3A_619, %ne3A_620 : i32
        %lt3A_622 = arith.constant 0 : i32
        %lt3A_623 = arith.cmpi slt, %rem3A_619, %lt3A_622 : i32
        %lt3A_624 = arith.constant 0 : i32
        %lt3A_625 = arith.cmpi slt, %select_n3A_618, %lt3A_624 : i32
        %ne3A_626 = arith.xori %lt3A_623, %lt3A_625 : i1
        %and3A_627 = arith.andi %ne3A_626, %ne3A_621 : i1
        %add3A_628 = arith.addi %rem3A_619, %select_n3A_618 : i32
        %select_n3A_629 = arith.select %and3A_627, %add3A_628, %rem3A_619 : i32
        %eq3A_630 = vector.broadcast %select_n3A_629 : i32 to vector<16xi32>
        %eq3A_631 = arith.cmpi eq, %iota3A, %eq3A_630 : vector<16xi32>
        %jit3A_632 = arith.constant 0.000000e+00 : f32
        %broadcast_in_dim3A_633 = vector.broadcast %scan3A_10 : f32 to vector<16xf32>
        %broadcast_in_dim3A_634 = vector.broadcast %jit3A_632 : f32 to vector<16xf32>
        %select_n3A_635 = arith.select %eq3A_631, %broadcast_in_dim3A_633, %broadcast_in_dim3A_634 : vector<16xi1>, vector<16xf32>
        %mul3A_636 = arith.constant 1024 : i32
        %mul3A_637 = arith.muli %add3A_587, %mul3A_636 : i32
        %add3A_638 = arith.addi %mul3A_637, %mul3A_613 : i32
        %multiple_of3A_639 = tpu.assume_multiple %add3A_638, 16 : i32
        %swap3A_640 = arith.index_cast %multiple_of3A_639 : i32 to index
        %swap3A_641 = tpu.vector_load %arg5[%swap3A_640] {strides = array<i32>} : memref<65536xf32, #tpu.memory_space<vmem>>, vector<16xf32>,
        %swap3A_642 = vector.shape_cast %swap3A_641 : vector<16xf32> to vector<16xf32>
        %swap3A_643 = vector.shape_cast %select_n3A_635 : vector<16xf32> to vector<16xf32>
        tpu.vector_store %arg5[%swap3A_640], %swap3A_643 {strides = array<i32>} : memref<65536xf32, #tpu.memory_space<vmem>>, vector<16xf32>,
        %slice3A_644 = vector.extract_strided_slice %get3A_37 {offsets = [10], sizes = [1], strides = [1]} : vector<16xi32> to vector<1xi32>
        %squeeze3A_645 = vector.extract %slice3A_644[0] : i32 from vector<1xi32>
        %mul3A_646 = arith.constant 16 : i32
        %mul3A_647 = arith.muli %scan3A_29, %mul3A_646 : i32
        %add3A_648 = arith.constant 10 : i32
        %add3A_649 = arith.addi %mul3A_647, %add3A_648 : i32
        %jit3A_650 = arith.constant 16 : i32
        %div3A_651 = arith.divsi %squeeze3A_645, %jit3A_650 : i32
        %sign3A_652 = arith.constant 0 : i32
        %sign3A_653 = arith.cmpi sgt, %squeeze3A_645, %sign3A_652 : i32
        %sign3A_654 = arith.extui %sign3A_653 : i1 to i32
        %sign3A_655 = arith.constant 0 : i32
        %sign3A_656 = arith.cmpi slt, %squeeze3A_645, %sign3A_655 : i32
        %sign3A_657 = arith.extui %sign3A_656 : i1 to i32
        %sign3A_658 = arith.subi %sign3A_654, %sign3A_657 : i32
        %sign3A_659 = arith.constant 0 : i32
        %sign3A_660 = arith.cmpi sgt, %jit3A_650, %sign3A_659 : i32
        %sign3A_661 = arith.extui %sign3A_660 : i1 to i32
        %sign3A_662 = arith.constant 0 : i32
        %sign3A_663 = arith.cmpi slt, %jit3A_650, %sign3A_662 : i32
        %sign3A_664 = arith.extui %sign3A_663 : i1 to i32
        %sign3A_665 = arith.subi %sign3A_661, %sign3A_664 : i32
        %ne3A_666 = arith.cmpi ne, %sign3A_658, %sign3A_665 : i32
        %rem3A_667 = arith.remsi %squeeze3A_645, %jit3A_650 : i32
        %ne3A_668 = arith.constant 0 : i32
        %ne3A_669 = arith.cmpi ne, %rem3A_667, %ne3A_668 : i32
        %and3A_670 = arith.andi %ne3A_666, %ne3A_669 : i1
        %sub3A_671 = arith.constant 1 : i32
        %sub3A_672 = arith.subi %div3A_651, %sub3A_671 : i32
        %select_n3A_673 = arith.select %and3A_670, %sub3A_672, %div3A_651 : i32
        %mul3A_674 = arith.constant 16 : i32
        %mul3A_675 = arith.muli %select_n3A_673, %mul3A_674 : i32
        %jit3A_676 = arith.constant 16 : i32
        %eq3A_677 = arith.constant 0 : i32
        %eq3A_678 = arith.cmpi eq, %jit3A_676, %eq3A_677 : i32
        %jit3A_679 = arith.constant 1 : i32
        %select_n3A_680 = arith.select %eq3A_678, %jit3A_679, %jit3A_676 : i32
        %rem3A_681 = arith.remsi %squeeze3A_645, %select_n3A_680 : i32
        %ne3A_682 = arith.constant 0 : i32
        %ne3A_683 = arith.cmpi ne, %rem3A_681, %ne3A_682 : i32
        %lt3A_684 = arith.constant 0 : i32
        %lt3A_685 = arith.cmpi slt, %rem3A_681, %lt3A_684 : i32
        %lt3A_686 = arith.constant 0 : i32
        %lt3A_687 = arith.cmpi slt, %select_n3A_680, %lt3A_686 : i32
        %ne3A_688 = arith.xori %lt3A_685, %lt3A_687 : i1
        %and3A_689 = arith.andi %ne3A_688, %ne3A_683 : i1
        %add3A_690 = arith.addi %rem3A_681, %select_n3A_680 : i32
        %select_n3A_691 = arith.select %and3A_689, %add3A_690, %rem3A_681 : i32
        %eq3A_692 = vector.broadcast %select_n3A_691 : i32 to vector<16xi32>
        %eq3A_693 = arith.cmpi eq, %iota3A, %eq3A_692 : vector<16xi32>
        %jit3A_694 = arith.constant 0.000000e+00 : f32
        %broadcast_in_dim3A_695 = vector.broadcast %scan3A_10 : f32 to vector<16xf32>
        %broadcast_in_dim3A_696 = vector.broadcast %jit3A_694 : f32 to vector<16xf32>
        %select_n3A_697 = arith.select %eq3A_693, %broadcast_in_dim3A_695, %broadcast_in_dim3A_696 : vector<16xi1>, vector<16xf32>
        %mul3A_698 = arith.constant 1024 : i32
        %mul3A_699 = arith.muli %add3A_649, %mul3A_698 : i32
        %add3A_700 = arith.addi %mul3A_699, %mul3A_675 : i32
        %multiple_of3A_701 = tpu.assume_multiple %add3A_700, 16 : i32
        %swap3A_702 = arith.index_cast %multiple_of3A_701 : i32 to index
        %swap3A_703 = tpu.vector_load %arg5[%swap3A_702] {strides = array<i32>} : memref<65536xf32, #tpu.memory_space<vmem>>, vector<16xf32>,
        %swap3A_704 = vector.shape_cast %swap3A_703 : vector<16xf32> to vector<16xf32>
        %swap3A_705 = vector.shape_cast %select_n3A_697 : vector<16xf32> to vector<16xf32>
        tpu.vector_store %arg5[%swap3A_702], %swap3A_705 {strides = array<i32>} : memref<65536xf32, #tpu.memory_space<vmem>>, vector<16xf32>,
        %slice3A_706 = vector.extract_strided_slice %get3A_37 {offsets = [11], sizes = [1], strides = [1]} : vector<16xi32> to vector<1xi32>
        %squeeze3A_707 = vector.extract %slice3A_706[0] : i32 from vector<1xi32>
        %mul3A_708 = arith.constant 16 : i32
        %mul3A_709 = arith.muli %scan3A_29, %mul3A_708 : i32
        %add3A_710 = arith.constant 11 : i32
        %add3A_711 = arith.addi %mul3A_709, %add3A_710 : i32
        %jit3A_712 = arith.constant 16 : i32
        %div3A_713 = arith.divsi %squeeze3A_707, %jit3A_712 : i32
        %sign3A_714 = arith.constant 0 : i32
        %sign3A_715 = arith.cmpi sgt, %squeeze3A_707, %sign3A_714 : i32
        %sign3A_716 = arith.extui %sign3A_715 : i1 to i32
        %sign3A_717 = arith.constant 0 : i32
        %sign3A_718 = arith.cmpi slt, %squeeze3A_707, %sign3A_717 : i32
        %sign3A_719 = arith.extui %sign3A_718 : i1 to i32
        %sign3A_720 = arith.subi %sign3A_716, %sign3A_719 : i32
        %sign3A_721 = arith.constant 0 : i32
        %sign3A_722 = arith.cmpi sgt, %jit3A_712, %sign3A_721 : i32
        %sign3A_723 = arith.extui %sign3A_722 : i1 to i32
        %sign3A_724 = arith.constant 0 : i32
        %sign3A_725 = arith.cmpi slt, %jit3A_712, %sign3A_724 : i32
        %sign3A_726 = arith.extui %sign3A_725 : i1 to i32
        %sign3A_727 = arith.subi %sign3A_723, %sign3A_726 : i32
        %ne3A_728 = arith.cmpi ne, %sign3A_720, %sign3A_727 : i32
        %rem3A_729 = arith.remsi %squeeze3A_707, %jit3A_712 : i32
        %ne3A_730 = arith.constant 0 : i32
        %ne3A_731 = arith.cmpi ne, %rem3A_729, %ne3A_730 : i32
        %and3A_732 = arith.andi %ne3A_728, %ne3A_731 : i1
        %sub3A_733 = arith.constant 1 : i32
        %sub3A_734 = arith.subi %div3A_713, %sub3A_733 : i32
        %select_n3A_735 = arith.select %and3A_732, %sub3A_734, %div3A_713 : i32
        %mul3A_736 = arith.constant 16 : i32
        %mul3A_737 = arith.muli %select_n3A_735, %mul3A_736 : i32
        %jit3A_738 = arith.constant 16 : i32
        %eq3A_739 = arith.constant 0 : i32
        %eq3A_740 = arith.cmpi eq, %jit3A_738, %eq3A_739 : i32
        %jit3A_741 = arith.constant 1 : i32
        %select_n3A_742 = arith.select %eq3A_740, %jit3A_741, %jit3A_738 : i32
        %rem3A_743 = arith.remsi %squeeze3A_707, %select_n3A_742 : i32
        %ne3A_744 = arith.constant 0 : i32
        %ne3A_745 = arith.cmpi ne, %rem3A_743, %ne3A_744 : i32
        %lt3A_746 = arith.constant 0 : i32
        %lt3A_747 = arith.cmpi slt, %rem3A_743, %lt3A_746 : i32
        %lt3A_748 = arith.constant 0 : i32
        %lt3A_749 = arith.cmpi slt, %select_n3A_742, %lt3A_748 : i32
        %ne3A_750 = arith.xori %lt3A_747, %lt3A_749 : i1
        %and3A_751 = arith.andi %ne3A_750, %ne3A_745 : i1
        %add3A_752 = arith.addi %rem3A_743, %select_n3A_742 : i32
        %select_n3A_753 = arith.select %and3A_751, %add3A_752, %rem3A_743 : i32
        %eq3A_754 = vector.broadcast %select_n3A_753 : i32 to vector<16xi32>
        %eq3A_755 = arith.cmpi eq, %iota3A, %eq3A_754 : vector<16xi32>
        %jit3A_756 = arith.constant 0.000000e+00 : f32
        %broadcast_in_dim3A_757 = vector.broadcast %scan3A_10 : f32 to vector<16xf32>
        %broadcast_in_dim3A_758 = vector.broadcast %jit3A_756 : f32 to vector<16xf32>
        %select_n3A_759 = arith.select %eq3A_755, %broadcast_in_dim3A_757, %broadcast_in_dim3A_758 : vector<16xi1>, vector<16xf32>
        %mul3A_760 = arith.constant 1024 : i32
        %mul3A_761 = arith.muli %add3A_711, %mul3A_760 : i32
        %add3A_762 = arith.addi %mul3A_761, %mul3A_737 : i32
        %multiple_of3A_763 = tpu.assume_multiple %add3A_762, 16 : i32
        %swap3A_764 = arith.index_cast %multiple_of3A_763 : i32 to index
        %swap3A_765 = tpu.vector_load %arg5[%swap3A_764] {strides = array<i32>} : memref<65536xf32, #tpu.memory_space<vmem>>, vector<16xf32>,
        %swap3A_766 = vector.shape_cast %swap3A_765 : vector<16xf32> to vector<16xf32>
        %swap3A_767 = vector.shape_cast %select_n3A_759 : vector<16xf32> to vector<16xf32>
        tpu.vector_store %arg5[%swap3A_764], %swap3A_767 {strides = array<i32>} : memref<65536xf32, #tpu.memory_space<vmem>>, vector<16xf32>,
        %slice3A_768 = vector.extract_strided_slice %get3A_37 {offsets = [12], sizes = [1], strides = [1]} : vector<16xi32> to vector<1xi32>
        %squeeze3A_769 = vector.extract %slice3A_768[0] : i32 from vector<1xi32>
        %mul3A_770 = arith.constant 16 : i32
        %mul3A_771 = arith.muli %scan3A_29, %mul3A_770 : i32
        %add3A_772 = arith.constant 12 : i32
        %add3A_773 = arith.addi %mul3A_771, %add3A_772 : i32
        %jit3A_774 = arith.constant 16 : i32
        %div3A_775 = arith.divsi %squeeze3A_769, %jit3A_774 : i32
        %sign3A_776 = arith.constant 0 : i32
        %sign3A_777 = arith.cmpi sgt, %squeeze3A_769, %sign3A_776 : i32
        %sign3A_778 = arith.extui %sign3A_777 : i1 to i32
        %sign3A_779 = arith.constant 0 : i32
        %sign3A_780 = arith.cmpi slt, %squeeze3A_769, %sign3A_779 : i32
        %sign3A_781 = arith.extui %sign3A_780 : i1 to i32
        %sign3A_782 = arith.subi %sign3A_778, %sign3A_781 : i32
        %sign3A_783 = arith.constant 0 : i32
        %sign3A_784 = arith.cmpi sgt, %jit3A_774, %sign3A_783 : i32
        %sign3A_785 = arith.extui %sign3A_784 : i1 to i32
        %sign3A_786 = arith.constant 0 : i32
        %sign3A_787 = arith.cmpi slt, %jit3A_774, %sign3A_786 : i32
        %sign3A_788 = arith.extui %sign3A_787 : i1 to i32
        %sign3A_789 = arith.subi %sign3A_785, %sign3A_788 : i32
        %ne3A_790 = arith.cmpi ne, %sign3A_782, %sign3A_789 : i32
        %rem3A_791 = arith.remsi %squeeze3A_769, %jit3A_774 : i32
        %ne3A_792 = arith.constant 0 : i32
        %ne3A_793 = arith.cmpi ne, %rem3A_791, %ne3A_792 : i32
        %and3A_794 = arith.andi %ne3A_790, %ne3A_793 : i1
        %sub3A_795 = arith.constant 1 : i32
        %sub3A_796 = arith.subi %div3A_775, %sub3A_795 : i32
        %select_n3A_797 = arith.select %and3A_794, %sub3A_796, %div3A_775 : i32
        %mul3A_798 = arith.constant 16 : i32
        %mul3A_799 = arith.muli %select_n3A_797, %mul3A_798 : i32
        %jit3A_800 = arith.constant 16 : i32
        %eq3A_801 = arith.constant 0 : i32
        %eq3A_802 = arith.cmpi eq, %jit3A_800, %eq3A_801 : i32
        %jit3A_803 = arith.constant 1 : i32
        %select_n3A_804 = arith.select %eq3A_802, %jit3A_803, %jit3A_800 : i32
        %rem3A_805 = arith.remsi %squeeze3A_769, %select_n3A_804 : i32
        %ne3A_806 = arith.constant 0 : i32
        %ne3A_807 = arith.cmpi ne, %rem3A_805, %ne3A_806 : i32
        %lt3A_808 = arith.constant 0 : i32
        %lt3A_809 = arith.cmpi slt, %rem3A_805, %lt3A_808 : i32
        %lt3A_810 = arith.constant 0 : i32
        %lt3A_811 = arith.cmpi slt, %select_n3A_804, %lt3A_810 : i32
        %ne3A_812 = arith.xori %lt3A_809, %lt3A_811 : i1
        %and3A_813 = arith.andi %ne3A_812, %ne3A_807 : i1
        %add3A_814 = arith.addi %rem3A_805, %select_n3A_804 : i32
        %select_n3A_815 = arith.select %and3A_813, %add3A_814, %rem3A_805 : i32
        %eq3A_816 = vector.broadcast %select_n3A_815 : i32 to vector<16xi32>
        %eq3A_817 = arith.cmpi eq, %iota3A, %eq3A_816 : vector<16xi32>
        %jit3A_818 = arith.constant 0.000000e+00 : f32
        %broadcast_in_dim3A_819 = vector.broadcast %scan3A_10 : f32 to vector<16xf32>
        %broadcast_in_dim3A_820 = vector.broadcast %jit3A_818 : f32 to vector<16xf32>
        %select_n3A_821 = arith.select %eq3A_817, %broadcast_in_dim3A_819, %broadcast_in_dim3A_820 : vector<16xi1>, vector<16xf32>
        %mul3A_822 = arith.constant 1024 : i32
        %mul3A_823 = arith.muli %add3A_773, %mul3A_822 : i32
        %add3A_824 = arith.addi %mul3A_823, %mul3A_799 : i32
        %multiple_of3A_825 = tpu.assume_multiple %add3A_824, 16 : i32
        %swap3A_826 = arith.index_cast %multiple_of3A_825 : i32 to index
        %swap3A_827 = tpu.vector_load %arg5[%swap3A_826] {strides = array<i32>} : memref<65536xf32, #tpu.memory_space<vmem>>, vector<16xf32>,
        %swap3A_828 = vector.shape_cast %swap3A_827 : vector<16xf32> to vector<16xf32>
        %swap3A_829 = vector.shape_cast %select_n3A_821 : vector<16xf32> to vector<16xf32>
        tpu.vector_store %arg5[%swap3A_826], %swap3A_829 {strides = array<i32>} : memref<65536xf32, #tpu.memory_space<vmem>>, vector<16xf32>,
        %slice3A_830 = vector.extract_strided_slice %get3A_37 {offsets = [13], sizes = [1], strides = [1]} : vector<16xi32> to vector<1xi32>
        %squeeze3A_831 = vector.extract %slice3A_830[0] : i32 from vector<1xi32>
        %mul3A_832 = arith.constant 16 : i32
        %mul3A_833 = arith.muli %scan3A_29, %mul3A_832 : i32
        %add3A_834 = arith.constant 13 : i32
        %add3A_835 = arith.addi %mul3A_833, %add3A_834 : i32
        %jit3A_836 = arith.constant 16 : i32
        %div3A_837 = arith.divsi %squeeze3A_831, %jit3A_836 : i32
        %sign3A_838 = arith.constant 0 : i32
        %sign3A_839 = arith.cmpi sgt, %squeeze3A_831, %sign3A_838 : i32
        %sign3A_840 = arith.extui %sign3A_839 : i1 to i32
        %sign3A_841 = arith.constant 0 : i32
        %sign3A_842 = arith.cmpi slt, %squeeze3A_831, %sign3A_841 : i32
        %sign3A_843 = arith.extui %sign3A_842 : i1 to i32
        %sign3A_844 = arith.subi %sign3A_840, %sign3A_843 : i32
        %sign3A_845 = arith.constant 0 : i32
        %sign3A_846 = arith.cmpi sgt, %jit3A_836, %sign3A_845 : i32
        %sign3A_847 = arith.extui %sign3A_846 : i1 to i32
        %sign3A_848 = arith.constant 0 : i32
        %sign3A_849 = arith.cmpi slt, %jit3A_836, %sign3A_848 : i32
        %sign3A_850 = arith.extui %sign3A_849 : i1 to i32
        %sign3A_851 = arith.subi %sign3A_847, %sign3A_850 : i32
        %ne3A_852 = arith.cmpi ne, %sign3A_844, %sign3A_851 : i32
        %rem3A_853 = arith.remsi %squeeze3A_831, %jit3A_836 : i32
        %ne3A_854 = arith.constant 0 : i32
        %ne3A_855 = arith.cmpi ne, %rem3A_853, %ne3A_854 : i32
        %and3A_856 = arith.andi %ne3A_852, %ne3A_855 : i1
        %sub3A_857 = arith.constant 1 : i32
        %sub3A_858 = arith.subi %div3A_837, %sub3A_857 : i32
        %select_n3A_859 = arith.select %and3A_856, %sub3A_858, %div3A_837 : i32
        %mul3A_860 = arith.constant 16 : i32
        %mul3A_861 = arith.muli %select_n3A_859, %mul3A_860 : i32
        %jit3A_862 = arith.constant 16 : i32
        %eq3A_863 = arith.constant 0 : i32
        %eq3A_864 = arith.cmpi eq, %jit3A_862, %eq3A_863 : i32
        %jit3A_865 = arith.constant 1 : i32
        %select_n3A_866 = arith.select %eq3A_864, %jit3A_865, %jit3A_862 : i32
        %rem3A_867 = arith.remsi %squeeze3A_831, %select_n3A_866 : i32
        %ne3A_868 = arith.constant 0 : i32
        %ne3A_869 = arith.cmpi ne, %rem3A_867, %ne3A_868 : i32
        %lt3A_870 = arith.constant 0 : i32
        %lt3A_871 = arith.cmpi slt, %rem3A_867, %lt3A_870 : i32
        %lt3A_872 = arith.constant 0 : i32
        %lt3A_873 = arith.cmpi slt, %select_n3A_866, %lt3A_872 : i32
        %ne3A_874 = arith.xori %lt3A_871, %lt3A_873 : i1
        %and3A_875 = arith.andi %ne3A_874, %ne3A_869 : i1
        %add3A_876 = arith.addi %rem3A_867, %select_n3A_866 : i32
        %select_n3A_877 = arith.select %and3A_875, %add3A_876, %rem3A_867 : i32
        %eq3A_878 = vector.broadcast %select_n3A_877 : i32 to vector<16xi32>
        %eq3A_879 = arith.cmpi eq, %iota3A, %eq3A_878 : vector<16xi32>
        %jit3A_880 = arith.constant 0.000000e+00 : f32
        %broadcast_in_dim3A_881 = vector.broadcast %scan3A_10 : f32 to vector<16xf32>
        %broadcast_in_dim3A_882 = vector.broadcast %jit3A_880 : f32 to vector<16xf32>
        %select_n3A_883 = arith.select %eq3A_879, %broadcast_in_dim3A_881, %broadcast_in_dim3A_882 : vector<16xi1>, vector<16xf32>
        %mul3A_884 = arith.constant 1024 : i32
        %mul3A_885 = arith.muli %add3A_835, %mul3A_884 : i32
        %add3A_886 = arith.addi %mul3A_885, %mul3A_861 : i32
        %multiple_of3A_887 = tpu.assume_multiple %add3A_886, 16 : i32
        %swap3A_888 = arith.index_cast %multiple_of3A_887 : i32 to index
        %swap3A_889 = tpu.vector_load %arg5[%swap3A_888] {strides = array<i32>} : memref<65536xf32, #tpu.memory_space<vmem>>, vector<16xf32>,
        %swap3A_890 = vector.shape_cast %swap3A_889 : vector<16xf32> to vector<16xf32>
        %swap3A_891 = vector.shape_cast %select_n3A_883 : vector<16xf32> to vector<16xf32>
        tpu.vector_store %arg5[%swap3A_888], %swap3A_891 {strides = array<i32>} : memref<65536xf32, #tpu.memory_space<vmem>>, vector<16xf32>,
        %slice3A_892 = vector.extract_strided_slice %get3A_37 {offsets = [14], sizes = [1], strides = [1]} : vector<16xi32> to vector<1xi32>
        %squeeze3A_893 = vector.extract %slice3A_892[0] : i32 from vector<1xi32>
        %mul3A_894 = arith.constant 16 : i32
        %mul3A_895 = arith.muli %scan3A_29, %mul3A_894 : i32
        %add3A_896 = arith.constant 14 : i32
        %add3A_897 = arith.addi %mul3A_895, %add3A_896 : i32
        %jit3A_898 = arith.constant 16 : i32
        %div3A_899 = arith.divsi %squeeze3A_893, %jit3A_898 : i32
        %sign3A_900 = arith.constant 0 : i32
        %sign3A_901 = arith.cmpi sgt, %squeeze3A_893, %sign3A_900 : i32
        %sign3A_902 = arith.extui %sign3A_901 : i1 to i32
        %sign3A_903 = arith.constant 0 : i32
        %sign3A_904 = arith.cmpi slt, %squeeze3A_893, %sign3A_903 : i32
        %sign3A_905 = arith.extui %sign3A_904 : i1 to i32
        %sign3A_906 = arith.subi %sign3A_902, %sign3A_905 : i32
        %sign3A_907 = arith.constant 0 : i32
        %sign3A_908 = arith.cmpi sgt, %jit3A_898, %sign3A_907 : i32
        %sign3A_909 = arith.extui %sign3A_908 : i1 to i32
        %sign3A_910 = arith.constant 0 : i32
        %sign3A_911 = arith.cmpi slt, %jit3A_898, %sign3A_910 : i32
        %sign3A_912 = arith.extui %sign3A_911 : i1 to i32
        %sign3A_913 = arith.subi %sign3A_909, %sign3A_912 : i32
        %ne3A_914 = arith.cmpi ne, %sign3A_906, %sign3A_913 : i32
        %rem3A_915 = arith.remsi %squeeze3A_893, %jit3A_898 : i32
        %ne3A_916 = arith.constant 0 : i32
        %ne3A_917 = arith.cmpi ne, %rem3A_915, %ne3A_916 : i32
        %and3A_918 = arith.andi %ne3A_914, %ne3A_917 : i1
        %sub3A_919 = arith.constant 1 : i32
        %sub3A_920 = arith.subi %div3A_899, %sub3A_919 : i32
        %select_n3A_921 = arith.select %and3A_918, %sub3A_920, %div3A_899 : i32
        %mul3A_922 = arith.constant 16 : i32
        %mul3A_923 = arith.muli %select_n3A_921, %mul3A_922 : i32
        %jit3A_924 = arith.constant 16 : i32
        %eq3A_925 = arith.constant 0 : i32
        %eq3A_926 = arith.cmpi eq, %jit3A_924, %eq3A_925 : i32
        %jit3A_927 = arith.constant 1 : i32
        %select_n3A_928 = arith.select %eq3A_926, %jit3A_927, %jit3A_924 : i32
        %rem3A_929 = arith.remsi %squeeze3A_893, %select_n3A_928 : i32
        %ne3A_930 = arith.constant 0 : i32
        %ne3A_931 = arith.cmpi ne, %rem3A_929, %ne3A_930 : i32
        %lt3A_932 = arith.constant 0 : i32
        %lt3A_933 = arith.cmpi slt, %rem3A_929, %lt3A_932 : i32
        %lt3A_934 = arith.constant 0 : i32
        %lt3A_935 = arith.cmpi slt, %select_n3A_928, %lt3A_934 : i32
        %ne3A_936 = arith.xori %lt3A_933, %lt3A_935 : i1
        %and3A_937 = arith.andi %ne3A_936, %ne3A_931 : i1
        %add3A_938 = arith.addi %rem3A_929, %select_n3A_928 : i32
        %select_n3A_939 = arith.select %and3A_937, %add3A_938, %rem3A_929 : i32
        %eq3A_940 = vector.broadcast %select_n3A_939 : i32 to vector<16xi32>
        %eq3A_941 = arith.cmpi eq, %iota3A, %eq3A_940 : vector<16xi32>
        %jit3A_942 = arith.constant 0.000000e+00 : f32
        %broadcast_in_dim3A_943 = vector.broadcast %scan3A_10 : f32 to vector<16xf32>
        %broadcast_in_dim3A_944 = vector.broadcast %jit3A_942 : f32 to vector<16xf32>
        %select_n3A_945 = arith.select %eq3A_941, %broadcast_in_dim3A_943, %broadcast_in_dim3A_944 : vector<16xi1>, vector<16xf32>
        %mul3A_946 = arith.constant 1024 : i32
        %mul3A_947 = arith.muli %add3A_897, %mul3A_946 : i32
        %add3A_948 = arith.addi %mul3A_947, %mul3A_923 : i32
        %multiple_of3A_949 = tpu.assume_multiple %add3A_948, 16 : i32
        %swap3A_950 = arith.index_cast %multiple_of3A_949 : i32 to index
        %swap3A_951 = tpu.vector_load %arg5[%swap3A_950] {strides = array<i32>} : memref<65536xf32, #tpu.memory_space<vmem>>, vector<16xf32>,
        %swap3A_952 = vector.shape_cast %swap3A_951 : vector<16xf32> to vector<16xf32>
        %swap3A_953 = vector.shape_cast %select_n3A_945 : vector<16xf32> to vector<16xf32>
        tpu.vector_store %arg5[%swap3A_950], %swap3A_953 {strides = array<i32>} : memref<65536xf32, #tpu.memory_space<vmem>>, vector<16xf32>,
        %slice3A_954 = vector.extract_strided_slice %get3A_37 {offsets = [15], sizes = [1], strides = [1]} : vector<16xi32> to vector<1xi32>
        %squeeze3A_955 = vector.extract %slice3A_954[0] : i32 from vector<1xi32>
        %mul3A_956 = arith.constant 16 : i32
        %mul3A_957 = arith.muli %scan3A_29, %mul3A_956 : i32
        %add3A_958 = arith.constant 15 : i32
        %add3A_959 = arith.addi %mul3A_957, %add3A_958 : i32
        %jit3A_960 = arith.constant 16 : i32
        %div3A_961 = arith.divsi %squeeze3A_955, %jit3A_960 : i32
        %sign3A_962 = arith.constant 0 : i32
        %sign3A_963 = arith.cmpi sgt, %squeeze3A_955, %sign3A_962 : i32
        %sign3A_964 = arith.extui %sign3A_963 : i1 to i32
        %sign3A_965 = arith.constant 0 : i32
        %sign3A_966 = arith.cmpi slt, %squeeze3A_955, %sign3A_965 : i32
        %sign3A_967 = arith.extui %sign3A_966 : i1 to i32
        %sign3A_968 = arith.subi %sign3A_964, %sign3A_967 : i32
        %sign3A_969 = arith.constant 0 : i32
        %sign3A_970 = arith.cmpi sgt, %jit3A_960, %sign3A_969 : i32
        %sign3A_971 = arith.extui %sign3A_970 : i1 to i32
        %sign3A_972 = arith.constant 0 : i32
        %sign3A_973 = arith.cmpi slt, %jit3A_960, %sign3A_972 : i32
        %sign3A_974 = arith.extui %sign3A_973 : i1 to i32
        %sign3A_975 = arith.subi %sign3A_971, %sign3A_974 : i32
        %ne3A_976 = arith.cmpi ne, %sign3A_968, %sign3A_975 : i32
        %rem3A_977 = arith.remsi %squeeze3A_955, %jit3A_960 : i32
        %ne3A_978 = arith.constant 0 : i32
        %ne3A_979 = arith.cmpi ne, %rem3A_977, %ne3A_978 : i32
        %and3A_980 = arith.andi %ne3A_976, %ne3A_979 : i1
        %sub3A_981 = arith.constant 1 : i32
        %sub3A_982 = arith.subi %div3A_961, %sub3A_981 : i32
        %select_n3A_983 = arith.select %and3A_980, %sub3A_982, %div3A_961 : i32
        %mul3A_984 = arith.constant 16 : i32
        %mul3A_985 = arith.muli %select_n3A_983, %mul3A_984 : i32
        %jit3A_986 = arith.constant 16 : i32
        %eq3A_987 = arith.constant 0 : i32
        %eq3A_988 = arith.cmpi eq, %jit3A_986, %eq3A_987 : i32
        %jit3A_989 = arith.constant 1 : i32
        %select_n3A_990 = arith.select %eq3A_988, %jit3A_989, %jit3A_986 : i32
        %rem3A_991 = arith.remsi %squeeze3A_955, %select_n3A_990 : i32
        %ne3A_992 = arith.constant 0 : i32
        %ne3A_993 = arith.cmpi ne, %rem3A_991, %ne3A_992 : i32
        %lt3A_994 = arith.constant 0 : i32
        %lt3A_995 = arith.cmpi slt, %rem3A_991, %lt3A_994 : i32
        %lt3A_996 = arith.constant 0 : i32
        %lt3A_997 = arith.cmpi slt, %select_n3A_990, %lt3A_996 : i32
        %ne3A_998 = arith.xori %lt3A_995, %lt3A_997 : i1
        %and3A_999 = arith.andi %ne3A_998, %ne3A_993 : i1
        %add3A_1000 = arith.addi %rem3A_991, %select_n3A_990 : i32
        %select_n3A_1001 = arith.select %and3A_999, %add3A_1000, %rem3A_991 : i32
        %eq3A_1002 = vector.broadcast %select_n3A_1001 : i32 to vector<16xi32>
        %eq3A_1003 = arith.cmpi eq, %iota3A, %eq3A_1002 : vector<16xi32>
        %jit3A_1004 = arith.constant 0.000000e+00 : f32
        %broadcast_in_dim3A_1005 = vector.broadcast %scan3A_10 : f32 to vector<16xf32>
        %broadcast_in_dim3A_1006 = vector.broadcast %jit3A_1004 : f32 to vector<16xf32>
        %select_n3A_1007 = arith.select %eq3A_1003, %broadcast_in_dim3A_1005, %broadcast_in_dim3A_1006 : vector<16xi1>, vector<16xf32>
        %mul3A_1008 = arith.constant 1024 : i32
        %mul3A_1009 = arith.muli %add3A_959, %mul3A_1008 : i32
        %add3A_1010 = arith.addi %mul3A_1009, %mul3A_985 : i32
        %multiple_of3A_1011 = tpu.assume_multiple %add3A_1010, 16 : i32
        %swap3A_1012 = arith.index_cast %multiple_of3A_1011 : i32 to index
        %swap3A_1013 = tpu.vector_load %arg5[%swap3A_1012] {strides = array<i32>} : memref<65536xf32, #tpu.memory_space<vmem>>, vector<16xf32>,
        %swap3A_1014 = vector.shape_cast %swap3A_1013 : vector<16xf32> to vector<16xf32>
        %swap3A_1015 = vector.shape_cast %select_n3A_1007 : vector<16xf32> to vector<16xf32>
        tpu.vector_store %arg5[%swap3A_1012], %swap3A_1015 {strides = array<i32>} : memref<65536xf32, #tpu.memory_space<vmem>>, vector<16xf32>,
      }
      %scan3A_15 = arith.constant 4 : i32
      %mul3A_16 = arith.constant 64 : i32
      %mul3A_17 = arith.muli %scan3A_8, %mul3A_16 : i32
      %add3A_18 = arith.addi %multiple_of3A, %mul3A_17 : i32
      %mul3A_19 = arith.constant 1024 : i32
      %mul3A_20 = arith.muli %add3A_18, %mul3A_19 : i32
      %multiple_of3A_21 = tpu.assume_multiple %mul3A_20, 65536 : i32
      "tpu.region"() ({
        %run_scoped3A = tpu.sem_alloc : memref<!tpu.dma_semaphore, #tpu.memory_space<semaphore_mem>>
        %dma_start3A = tpu.memref_slice %arg4[%multiple_of3A_21] : memref<33554432xf32, #tpu.memory_space<hbm>> -> memref<65536xf32, #tpu.memory_space<hbm>>
        %dma_start3A_29 = tpu.memref_slice %arg4[%multiple_of3A_21] : memref<33554432xf32, #tpu.memory_space<hbm>> -> memref<65536xf32, #tpu.memory_space<hbm>>
        tpu.enqueue_dma source(%arg5 : memref<65536xf32, #tpu.memory_space<vmem>>) target(%dma_start3A_29 : memref<65536xf32, #tpu.memory_space<hbm>>) target_semaphore(%run_scoped3A : memref<!tpu.dma_semaphore, #tpu.memory_space<semaphore_mem>>)
        %dma_wait3A = tpu.memref_slice %arg4[%multiple_of3A_21] : memref<33554432xf32, #tpu.memory_space<hbm>> -> memref<65536xf32, #tpu.memory_space<hbm>>
        %dma_wait3A_30 = tpu.memref_slice %arg4[%multiple_of3A_21] : memref<33554432xf32, #tpu.memory_space<hbm>> -> memref<65536xf32, #tpu.memory_space<hbm>>
        tpu.wait_dma2 semaphore(%run_scoped3A : memref<!tpu.dma_semaphore, #tpu.memory_space<semaphore_mem>>) src(%arg5 : memref<65536xf32, #tpu.memory_space<vmem>>) dst(%dma_wait3A_30 : memref<65536xf32, #tpu.memory_space<hbm>>)
        tpu.yield
      }) : () -> ()
      %scan3A_22 = arith.constant 0 : i32
      %scan3A_23 = arith.constant 0.000000e+00 : f32
      %scan3A_24 = arith.constant 0 : i32
      %scan3A_25 = arith.constant 4 : i32
      %scan3A_26 = arith.addi %scan3A_24, %scan3A_25 : i32
      %scan3A_27 = arith.constant 1 : i32
      scf.for %scan3A_29 = %scan3A_24 to %scan3A_26 step %scan3A_27  : i32 {
        %mul3A_30 = arith.constant 64 : i32
        %mul3A_31 = arith.muli %scan3A_8, %mul3A_30 : i32
        %mul3A_32 = arith.constant 16 : i32
        %mul3A_33 = arith.muli %scan3A_29, %mul3A_32 : i32
        %add3A_34 = arith.addi %mul3A_31, %mul3A_33 : i32
        %multiple_of3A_35 = tpu.assume_multiple %add3A_34, 16 : i32
        %get3A = arith.index_cast %multiple_of3A_35 : i32 to index
        %get3A_36 = tpu.vector_load %arg6[%get3A] {strides = array<i32>} : memref<1024xi32, #tpu.memory_space<vmem>>, vector<16xi32>,
        %get3A_37 = vector.shape_cast %get3A_36 : vector<16xi32> to vector<16xi32>
        %slice3A = vector.extract_strided_slice %get3A_37 {offsets = [0], sizes = [1], strides = [1]} : vector<16xi32> to vector<1xi32>
        %squeeze3A = vector.extract %slice3A[0] : i32 from vector<1xi32>
        %mul3A_38 = arith.constant 16 : i32
        %mul3A_39 = arith.muli %scan3A_29, %mul3A_38 : i32
        %add3A_40 = arith.constant 0 : i32
        %add3A_41 = arith.addi %mul3A_39, %add3A_40 : i32
        %jit3A = arith.constant 16 : i32
        %div3A = arith.divsi %squeeze3A, %jit3A : i32
        %sign3A = arith.constant 0 : i32
        %sign3A_42 = arith.cmpi sgt, %squeeze3A, %sign3A : i32
        %sign3A_43 = arith.extui %sign3A_42 : i1 to i32
        %sign3A_44 = arith.constant 0 : i32
        %sign3A_45 = arith.cmpi slt, %squeeze3A, %sign3A_44 : i32
        %sign3A_46 = arith.extui %sign3A_45 : i1 to i32
        %sign3A_47 = arith.subi %sign3A_43, %sign3A_46 : i32
        %sign3A_48 = arith.constant 0 : i32
        %sign3A_49 = arith.cmpi sgt, %jit3A, %sign3A_48 : i32
        %sign3A_50 = arith.extui %sign3A_49 : i1 to i32
        %sign3A_51 = arith.constant 0 : i32
        %sign3A_52 = arith.cmpi slt, %jit3A, %sign3A_51 : i32
        %sign3A_53 = arith.extui %sign3A_52 : i1 to i32
        %sign3A_54 = arith.subi %sign3A_50, %sign3A_53 : i32
        %ne3A = arith.cmpi ne, %sign3A_47, %sign3A_54 : i32
        %rem3A = arith.remsi %squeeze3A, %jit3A : i32
        %ne3A_55 = arith.constant 0 : i32
        %ne3A_56 = arith.cmpi ne, %rem3A, %ne3A_55 : i32
        %and3A = arith.andi %ne3A, %ne3A_56 : i1
        %sub3A = arith.constant 1 : i32
        %sub3A_57 = arith.subi %div3A, %sub3A : i32
        %select_n3A = arith.select %and3A, %sub3A_57, %div3A : i32
        %mul3A_58 = arith.constant 16 : i32
        %mul3A_59 = arith.muli %select_n3A, %mul3A_58 : i32
        %jit3A_60 = arith.constant 16 : i32
        %eq3A = arith.constant 0 : i32
        %eq3A_61 = arith.cmpi eq, %jit3A_60, %eq3A : i32
        %jit3A_62 = arith.constant 1 : i32
        %select_n3A_63 = arith.select %eq3A_61, %jit3A_62, %jit3A_60 : i32
        %rem3A_64 = arith.remsi %squeeze3A, %select_n3A_63 : i32
        %ne3A_65 = arith.constant 0 : i32
        %ne3A_66 = arith.cmpi ne, %rem3A_64, %ne3A_65 : i32
        %lt3A = arith.constant 0 : i32
        %lt3A_67 = arith.cmpi slt, %rem3A_64, %lt3A : i32
        %lt3A_68 = arith.constant 0 : i32
        %lt3A_69 = arith.cmpi slt, %select_n3A_63, %lt3A_68 : i32
        %ne3A_70 = arith.xori %lt3A_67, %lt3A_69 : i1
        %and3A_71 = arith.andi %ne3A_70, %ne3A_66 : i1
        %add3A_72 = arith.addi %rem3A_64, %select_n3A_63 : i32
        %select_n3A_73 = arith.select %and3A_71, %add3A_72, %rem3A_64 : i32
        %eq3A_74 = vector.broadcast %select_n3A_73 : i32 to vector<16xi32>
        %eq3A_75 = arith.cmpi eq, %iota3A, %eq3A_74 : vector<16xi32>
        %jit3A_76 = arith.constant 0.000000e+00 : f32
        %broadcast_in_dim3A = vector.broadcast %scan3A_23 : f32 to vector<16xf32>
        %broadcast_in_dim3A_77 = vector.broadcast %jit3A_76 : f32 to vector<16xf32>
        %select_n3A_78 = arith.select %eq3A_75, %broadcast_in_dim3A, %broadcast_in_dim3A_77 : vector<16xi1>, vector<16xf32>
        %mul3A_79 = arith.constant 1024 : i32
        %mul3A_80 = arith.muli %add3A_41, %mul3A_79 : i32
        %add3A_81 = arith.addi %mul3A_80, %mul3A_59 : i32
        %multiple_of3A_82 = tpu.assume_multiple %add3A_81, 16 : i32
        %swap3A = arith.index_cast %multiple_of3A_82 : i32 to index
        %swap3A_83 = tpu.vector_load %arg5[%swap3A] {strides = array<i32>} : memref<65536xf32, #tpu.memory_space<vmem>>, vector<16xf32>,
        %swap3A_84 = vector.shape_cast %swap3A_83 : vector<16xf32> to vector<16xf32>
        %swap3A_85 = vector.shape_cast %select_n3A_78 : vector<16xf32> to vector<16xf32>
        tpu.vector_store %arg5[%swap3A], %swap3A_85 {strides = array<i32>} : memref<65536xf32, #tpu.memory_space<vmem>>, vector<16xf32>,
        %slice3A_86 = vector.extract_strided_slice %get3A_37 {offsets = [1], sizes = [1], strides = [1]} : vector<16xi32> to vector<1xi32>
        %squeeze3A_87 = vector.extract %slice3A_86[0] : i32 from vector<1xi32>
        %mul3A_88 = arith.constant 16 : i32
        %mul3A_89 = arith.muli %scan3A_29, %mul3A_88 : i32
        %add3A_90 = arith.constant 1 : i32
        %add3A_91 = arith.addi %mul3A_89, %add3A_90 : i32
        %jit3A_92 = arith.constant 16 : i32
        %div3A_93 = arith.divsi %squeeze3A_87, %jit3A_92 : i32
        %sign3A_94 = arith.constant 0 : i32
        %sign3A_95 = arith.cmpi sgt, %squeeze3A_87, %sign3A_94 : i32
        %sign3A_96 = arith.extui %sign3A_95 : i1 to i32
        %sign3A_97 = arith.constant 0 : i32
        %sign3A_98 = arith.cmpi slt, %squeeze3A_87, %sign3A_97 : i32
        %sign3A_99 = arith.extui %sign3A_98 : i1 to i32
        %sign3A_100 = arith.subi %sign3A_96, %sign3A_99 : i32
        %sign3A_101 = arith.constant 0 : i32
        %sign3A_102 = arith.cmpi sgt, %jit3A_92, %sign3A_101 : i32
        %sign3A_103 = arith.extui %sign3A_102 : i1 to i32
        %sign3A_104 = arith.constant 0 : i32
        %sign3A_105 = arith.cmpi slt, %jit3A_92, %sign3A_104 : i32
        %sign3A_106 = arith.extui %sign3A_105 : i1 to i32
        %sign3A_107 = arith.subi %sign3A_103, %sign3A_106 : i32
        %ne3A_108 = arith.cmpi ne, %sign3A_100, %sign3A_107 : i32
        %rem3A_109 = arith.remsi %squeeze3A_87, %jit3A_92 : i32
        %ne3A_110 = arith.constant 0 : i32
        %ne3A_111 = arith.cmpi ne, %rem3A_109, %ne3A_110 : i32
        %and3A_112 = arith.andi %ne3A_108, %ne3A_111 : i1
        %sub3A_113 = arith.constant 1 : i32
        %sub3A_114 = arith.subi %div3A_93, %sub3A_113 : i32
        %select_n3A_115 = arith.select %and3A_112, %sub3A_114, %div3A_93 : i32
        %mul3A_116 = arith.constant 16 : i32
        %mul3A_117 = arith.muli %select_n3A_115, %mul3A_116 : i32
        %jit3A_118 = arith.constant 16 : i32
        %eq3A_119 = arith.constant 0 : i32
        %eq3A_120 = arith.cmpi eq, %jit3A_118, %eq3A_119 : i32
        %jit3A_121 = arith.constant 1 : i32
        %select_n3A_122 = arith.select %eq3A_120, %jit3A_121, %jit3A_118 : i32
        %rem3A_123 = arith.remsi %squeeze3A_87, %select_n3A_122 : i32
        %ne3A_124 = arith.constant 0 : i32
        %ne3A_125 = arith.cmpi ne, %rem3A_123, %ne3A_124 : i32
        %lt3A_126 = arith.constant 0 : i32
        %lt3A_127 = arith.cmpi slt, %rem3A_123, %lt3A_126 : i32
        %lt3A_128 = arith.constant 0 : i32
        %lt3A_129 = arith.cmpi slt, %select_n3A_122, %lt3A_128 : i32
        %ne3A_130 = arith.xori %lt3A_127, %lt3A_129 : i1
        %and3A_131 = arith.andi %ne3A_130, %ne3A_125 : i1
        %add3A_132 = arith.addi %rem3A_123, %select_n3A_122 : i32
        %select_n3A_133 = arith.select %and3A_131, %add3A_132, %rem3A_123 : i32
        %eq3A_134 = vector.broadcast %select_n3A_133 : i32 to vector<16xi32>
        %eq3A_135 = arith.cmpi eq, %iota3A, %eq3A_134 : vector<16xi32>
        %jit3A_136 = arith.constant 0.000000e+00 : f32
        %broadcast_in_dim3A_137 = vector.broadcast %scan3A_23 : f32 to vector<16xf32>
        %broadcast_in_dim3A_138 = vector.broadcast %jit3A_136 : f32 to vector<16xf32>
        %select_n3A_139 = arith.select %eq3A_135, %broadcast_in_dim3A_137, %broadcast_in_dim3A_138 : vector<16xi1>, vector<16xf32>
        %mul3A_140 = arith.constant 1024 : i32
        %mul3A_141 = arith.muli %add3A_91, %mul3A_140 : i32
        %add3A_142 = arith.addi %mul3A_141, %mul3A_117 : i32
        %multiple_of3A_143 = tpu.assume_multiple %add3A_142, 16 : i32
        %swap3A_144 = arith.index_cast %multiple_of3A_143 : i32 to index
        %swap3A_145 = tpu.vector_load %arg5[%swap3A_144] {strides = array<i32>} : memref<65536xf32, #tpu.memory_space<vmem>>, vector<16xf32>,
        %swap3A_146 = vector.shape_cast %swap3A_145 : vector<16xf32> to vector<16xf32>
        %swap3A_147 = vector.shape_cast %select_n3A_139 : vector<16xf32> to vector<16xf32>
        tpu.vector_store %arg5[%swap3A_144], %swap3A_147 {strides = array<i32>} : memref<65536xf32, #tpu.memory_space<vmem>>, vector<16xf32>,
        %slice3A_148 = vector.extract_strided_slice %get3A_37 {offsets = [2], sizes = [1], strides = [1]} : vector<16xi32> to vector<1xi32>
        %squeeze3A_149 = vector.extract %slice3A_148[0] : i32 from vector<1xi32>
        %mul3A_150 = arith.constant 16 : i32
        %mul3A_151 = arith.muli %scan3A_29, %mul3A_150 : i32
        %add3A_152 = arith.constant 2 : i32
        %add3A_153 = arith.addi %mul3A_151, %add3A_152 : i32
        %jit3A_154 = arith.constant 16 : i32
        %div3A_155 = arith.divsi %squeeze3A_149, %jit3A_154 : i32
        %sign3A_156 = arith.constant 0 : i32
        %sign3A_157 = arith.cmpi sgt, %squeeze3A_149, %sign3A_156 : i32
        %sign3A_158 = arith.extui %sign3A_157 : i1 to i32
        %sign3A_159 = arith.constant 0 : i32
        %sign3A_160 = arith.cmpi slt, %squeeze3A_149, %sign3A_159 : i32
        %sign3A_161 = arith.extui %sign3A_160 : i1 to i32
        %sign3A_162 = arith.subi %sign3A_158, %sign3A_161 : i32
        %sign3A_163 = arith.constant 0 : i32
        %sign3A_164 = arith.cmpi sgt, %jit3A_154, %sign3A_163 : i32
        %sign3A_165 = arith.extui %sign3A_164 : i1 to i32
        %sign3A_166 = arith.constant 0 : i32
        %sign3A_167 = arith.cmpi slt, %jit3A_154, %sign3A_166 : i32
        %sign3A_168 = arith.extui %sign3A_167 : i1 to i32
        %sign3A_169 = arith.subi %sign3A_165, %sign3A_168 : i32
        %ne3A_170 = arith.cmpi ne, %sign3A_162, %sign3A_169 : i32
        %rem3A_171 = arith.remsi %squeeze3A_149, %jit3A_154 : i32
        %ne3A_172 = arith.constant 0 : i32
        %ne3A_173 = arith.cmpi ne, %rem3A_171, %ne3A_172 : i32
        %and3A_174 = arith.andi %ne3A_170, %ne3A_173 : i1
        %sub3A_175 = arith.constant 1 : i32
        %sub3A_176 = arith.subi %div3A_155, %sub3A_175 : i32
        %select_n3A_177 = arith.select %and3A_174, %sub3A_176, %div3A_155 : i32
        %mul3A_178 = arith.constant 16 : i32
        %mul3A_179 = arith.muli %select_n3A_177, %mul3A_178 : i32
        %jit3A_180 = arith.constant 16 : i32
        %eq3A_181 = arith.constant 0 : i32
        %eq3A_182 = arith.cmpi eq, %jit3A_180, %eq3A_181 : i32
        %jit3A_183 = arith.constant 1 : i32
        %select_n3A_184 = arith.select %eq3A_182, %jit3A_183, %jit3A_180 : i32
        %rem3A_185 = arith.remsi %squeeze3A_149, %select_n3A_184 : i32
        %ne3A_186 = arith.constant 0 : i32
        %ne3A_187 = arith.cmpi ne, %rem3A_185, %ne3A_186 : i32
        %lt3A_188 = arith.constant 0 : i32
        %lt3A_189 = arith.cmpi slt, %rem3A_185, %lt3A_188 : i32
        %lt3A_190 = arith.constant 0 : i32
        %lt3A_191 = arith.cmpi slt, %select_n3A_184, %lt3A_190 : i32
        %ne3A_192 = arith.xori %lt3A_189, %lt3A_191 : i1
        %and3A_193 = arith.andi %ne3A_192, %ne3A_187 : i1
        %add3A_194 = arith.addi %rem3A_185, %select_n3A_184 : i32
        %select_n3A_195 = arith.select %and3A_193, %add3A_194, %rem3A_185 : i32
        %eq3A_196 = vector.broadcast %select_n3A_195 : i32 to vector<16xi32>
        %eq3A_197 = arith.cmpi eq, %iota3A, %eq3A_196 : vector<16xi32>
        %jit3A_198 = arith.constant 0.000000e+00 : f32
        %broadcast_in_dim3A_199 = vector.broadcast %scan3A_23 : f32 to vector<16xf32>
        %broadcast_in_dim3A_200 = vector.broadcast %jit3A_198 : f32 to vector<16xf32>
        %select_n3A_201 = arith.select %eq3A_197, %broadcast_in_dim3A_199, %broadcast_in_dim3A_200 : vector<16xi1>, vector<16xf32>
        %mul3A_202 = arith.constant 1024 : i32
        %mul3A_203 = arith.muli %add3A_153, %mul3A_202 : i32
        %add3A_204 = arith.addi %mul3A_203, %mul3A_179 : i32
        %multiple_of3A_205 = tpu.assume_multiple %add3A_204, 16 : i32
        %swap3A_206 = arith.index_cast %multiple_of3A_205 : i32 to index
        %swap3A_207 = tpu.vector_load %arg5[%swap3A_206] {strides = array<i32>} : memref<65536xf32, #tpu.memory_space<vmem>>, vector<16xf32>,
        %swap3A_208 = vector.shape_cast %swap3A_207 : vector<16xf32> to vector<16xf32>
        %swap3A_209 = vector.shape_cast %select_n3A_201 : vector<16xf32> to vector<16xf32>
        tpu.vector_store %arg5[%swap3A_206], %swap3A_209 {strides = array<i32>} : memref<65536xf32, #tpu.memory_space<vmem>>, vector<16xf32>,
        %slice3A_210 = vector.extract_strided_slice %get3A_37 {offsets = [3], sizes = [1], strides = [1]} : vector<16xi32> to vector<1xi32>
        %squeeze3A_211 = vector.extract %slice3A_210[0] : i32 from vector<1xi32>
        %mul3A_212 = arith.constant 16 : i32
        %mul3A_213 = arith.muli %scan3A_29, %mul3A_212 : i32
        %add3A_214 = arith.constant 3 : i32
        %add3A_215 = arith.addi %mul3A_213, %add3A_214 : i32
        %jit3A_216 = arith.constant 16 : i32
        %div3A_217 = arith.divsi %squeeze3A_211, %jit3A_216 : i32
        %sign3A_218 = arith.constant 0 : i32
        %sign3A_219 = arith.cmpi sgt, %squeeze3A_211, %sign3A_218 : i32
        %sign3A_220 = arith.extui %sign3A_219 : i1 to i32
        %sign3A_221 = arith.constant 0 : i32
        %sign3A_222 = arith.cmpi slt, %squeeze3A_211, %sign3A_221 : i32
        %sign3A_223 = arith.extui %sign3A_222 : i1 to i32
        %sign3A_224 = arith.subi %sign3A_220, %sign3A_223 : i32
        %sign3A_225 = arith.constant 0 : i32
        %sign3A_226 = arith.cmpi sgt, %jit3A_216, %sign3A_225 : i32
        %sign3A_227 = arith.extui %sign3A_226 : i1 to i32
        %sign3A_228 = arith.constant 0 : i32
        %sign3A_229 = arith.cmpi slt, %jit3A_216, %sign3A_228 : i32
        %sign3A_230 = arith.extui %sign3A_229 : i1 to i32
        %sign3A_231 = arith.subi %sign3A_227, %sign3A_230 : i32
        %ne3A_232 = arith.cmpi ne, %sign3A_224, %sign3A_231 : i32
        %rem3A_233 = arith.remsi %squeeze3A_211, %jit3A_216 : i32
        %ne3A_234 = arith.constant 0 : i32
        %ne3A_235 = arith.cmpi ne, %rem3A_233, %ne3A_234 : i32
        %and3A_236 = arith.andi %ne3A_232, %ne3A_235 : i1
        %sub3A_237 = arith.constant 1 : i32
        %sub3A_238 = arith.subi %div3A_217, %sub3A_237 : i32
        %select_n3A_239 = arith.select %and3A_236, %sub3A_238, %div3A_217 : i32
        %mul3A_240 = arith.constant 16 : i32
        %mul3A_241 = arith.muli %select_n3A_239, %mul3A_240 : i32
        %jit3A_242 = arith.constant 16 : i32
        %eq3A_243 = arith.constant 0 : i32
        %eq3A_244 = arith.cmpi eq, %jit3A_242, %eq3A_243 : i32
        %jit3A_245 = arith.constant 1 : i32
        %select_n3A_246 = arith.select %eq3A_244, %jit3A_245, %jit3A_242 : i32
        %rem3A_247 = arith.remsi %squeeze3A_211, %select_n3A_246 : i32
        %ne3A_248 = arith.constant 0 : i32
        %ne3A_249 = arith.cmpi ne, %rem3A_247, %ne3A_248 : i32
        %lt3A_250 = arith.constant 0 : i32
        %lt3A_251 = arith.cmpi slt, %rem3A_247, %lt3A_250 : i32
        %lt3A_252 = arith.constant 0 : i32
        %lt3A_253 = arith.cmpi slt, %select_n3A_246, %lt3A_252 : i32
        %ne3A_254 = arith.xori %lt3A_251, %lt3A_253 : i1
        %and3A_255 = arith.andi %ne3A_254, %ne3A_249 : i1
        %add3A_256 = arith.addi %rem3A_247, %select_n3A_246 : i32
        %select_n3A_257 = arith.select %and3A_255, %add3A_256, %rem3A_247 : i32
        %eq3A_258 = vector.broadcast %select_n3A_257 : i32 to vector<16xi32>
        %eq3A_259 = arith.cmpi eq, %iota3A, %eq3A_258 : vector<16xi32>
        %jit3A_260 = arith.constant 0.000000e+00 : f32
        %broadcast_in_dim3A_261 = vector.broadcast %scan3A_23 : f32 to vector<16xf32>
        %broadcast_in_dim3A_262 = vector.broadcast %jit3A_260 : f32 to vector<16xf32>
        %select_n3A_263 = arith.select %eq3A_259, %broadcast_in_dim3A_261, %broadcast_in_dim3A_262 : vector<16xi1>, vector<16xf32>
        %mul3A_264 = arith.constant 1024 : i32
        %mul3A_265 = arith.muli %add3A_215, %mul3A_264 : i32
        %add3A_266 = arith.addi %mul3A_265, %mul3A_241 : i32
        %multiple_of3A_267 = tpu.assume_multiple %add3A_266, 16 : i32
        %swap3A_268 = arith.index_cast %multiple_of3A_267 : i32 to index
        %swap3A_269 = tpu.vector_load %arg5[%swap3A_268] {strides = array<i32>} : memref<65536xf32, #tpu.memory_space<vmem>>, vector<16xf32>,
        %swap3A_270 = vector.shape_cast %swap3A_269 : vector<16xf32> to vector<16xf32>
        %swap3A_271 = vector.shape_cast %select_n3A_263 : vector<16xf32> to vector<16xf32>
        tpu.vector_store %arg5[%swap3A_268], %swap3A_271 {strides = array<i32>} : memref<65536xf32, #tpu.memory_space<vmem>>, vector<16xf32>,
        %slice3A_272 = vector.extract_strided_slice %get3A_37 {offsets = [4], sizes = [1], strides = [1]} : vector<16xi32> to vector<1xi32>
        %squeeze3A_273 = vector.extract %slice3A_272[0] : i32 from vector<1xi32>
        %mul3A_274 = arith.constant 16 : i32
        %mul3A_275 = arith.muli %scan3A_29, %mul3A_274 : i32
        %add3A_276 = arith.constant 4 : i32
        %add3A_277 = arith.addi %mul3A_275, %add3A_276 : i32
        %jit3A_278 = arith.constant 16 : i32
        %div3A_279 = arith.divsi %squeeze3A_273, %jit3A_278 : i32
        %sign3A_280 = arith.constant 0 : i32
        %sign3A_281 = arith.cmpi sgt, %squeeze3A_273, %sign3A_280 : i32
        %sign3A_282 = arith.extui %sign3A_281 : i1 to i32
        %sign3A_283 = arith.constant 0 : i32
        %sign3A_284 = arith.cmpi slt, %squeeze3A_273, %sign3A_283 : i32
        %sign3A_285 = arith.extui %sign3A_284 : i1 to i32
        %sign3A_286 = arith.subi %sign3A_282, %sign3A_285 : i32
        %sign3A_287 = arith.constant 0 : i32
        %sign3A_288 = arith.cmpi sgt, %jit3A_278, %sign3A_287 : i32
        %sign3A_289 = arith.extui %sign3A_288 : i1 to i32
        %sign3A_290 = arith.constant 0 : i32
        %sign3A_291 = arith.cmpi slt, %jit3A_278, %sign3A_290 : i32
        %sign3A_292 = arith.extui %sign3A_291 : i1 to i32
        %sign3A_293 = arith.subi %sign3A_289, %sign3A_292 : i32
        %ne3A_294 = arith.cmpi ne, %sign3A_286, %sign3A_293 : i32
        %rem3A_295 = arith.remsi %squeeze3A_273, %jit3A_278 : i32
        %ne3A_296 = arith.constant 0 : i32
        %ne3A_297 = arith.cmpi ne, %rem3A_295, %ne3A_296 : i32
        %and3A_298 = arith.andi %ne3A_294, %ne3A_297 : i1
        %sub3A_299 = arith.constant 1 : i32
        %sub3A_300 = arith.subi %div3A_279, %sub3A_299 : i32
        %select_n3A_301 = arith.select %and3A_298, %sub3A_300, %div3A_279 : i32
        %mul3A_302 = arith.constant 16 : i32
        %mul3A_303 = arith.muli %select_n3A_301, %mul3A_302 : i32
        %jit3A_304 = arith.constant 16 : i32
        %eq3A_305 = arith.constant 0 : i32
        %eq3A_306 = arith.cmpi eq, %jit3A_304, %eq3A_305 : i32
        %jit3A_307 = arith.constant 1 : i32
        %select_n3A_308 = arith.select %eq3A_306, %jit3A_307, %jit3A_304 : i32
        %rem3A_309 = arith.remsi %squeeze3A_273, %select_n3A_308 : i32
        %ne3A_310 = arith.constant 0 : i32
        %ne3A_311 = arith.cmpi ne, %rem3A_309, %ne3A_310 : i32
        %lt3A_312 = arith.constant 0 : i32
        %lt3A_313 = arith.cmpi slt, %rem3A_309, %lt3A_312 : i32
        %lt3A_314 = arith.constant 0 : i32
        %lt3A_315 = arith.cmpi slt, %select_n3A_308, %lt3A_314 : i32
        %ne3A_316 = arith.xori %lt3A_313, %lt3A_315 : i1
        %and3A_317 = arith.andi %ne3A_316, %ne3A_311 : i1
        %add3A_318 = arith.addi %rem3A_309, %select_n3A_308 : i32
        %select_n3A_319 = arith.select %and3A_317, %add3A_318, %rem3A_309 : i32
        %eq3A_320 = vector.broadcast %select_n3A_319 : i32 to vector<16xi32>
        %eq3A_321 = arith.cmpi eq, %iota3A, %eq3A_320 : vector<16xi32>
        %jit3A_322 = arith.constant 0.000000e+00 : f32
        %broadcast_in_dim3A_323 = vector.broadcast %scan3A_23 : f32 to vector<16xf32>
        %broadcast_in_dim3A_324 = vector.broadcast %jit3A_322 : f32 to vector<16xf32>
        %select_n3A_325 = arith.select %eq3A_321, %broadcast_in_dim3A_323, %broadcast_in_dim3A_324 : vector<16xi1>, vector<16xf32>
        %mul3A_326 = arith.constant 1024 : i32
        %mul3A_327 = arith.muli %add3A_277, %mul3A_326 : i32
        %add3A_328 = arith.addi %mul3A_327, %mul3A_303 : i32
        %multiple_of3A_329 = tpu.assume_multiple %add3A_328, 16 : i32
        %swap3A_330 = arith.index_cast %multiple_of3A_329 : i32 to index
        %swap3A_331 = tpu.vector_load %arg5[%swap3A_330] {strides = array<i32>} : memref<65536xf32, #tpu.memory_space<vmem>>, vector<16xf32>,
        %swap3A_332 = vector.shape_cast %swap3A_331 : vector<16xf32> to vector<16xf32>
        %swap3A_333 = vector.shape_cast %select_n3A_325 : vector<16xf32> to vector<16xf32>
        tpu.vector_store %arg5[%swap3A_330], %swap3A_333 {strides = array<i32>} : memref<65536xf32, #tpu.memory_space<vmem>>, vector<16xf32>,
        %slice3A_334 = vector.extract_strided_slice %get3A_37 {offsets = [5], sizes = [1], strides = [1]} : vector<16xi32> to vector<1xi32>
        %squeeze3A_335 = vector.extract %slice3A_334[0] : i32 from vector<1xi32>
        %mul3A_336 = arith.constant 16 : i32
        %mul3A_337 = arith.muli %scan3A_29, %mul3A_336 : i32
        %add3A_338 = arith.constant 5 : i32
        %add3A_339 = arith.addi %mul3A_337, %add3A_338 : i32
        %jit3A_340 = arith.constant 16 : i32
        %div3A_341 = arith.divsi %squeeze3A_335, %jit3A_340 : i32
        %sign3A_342 = arith.constant 0 : i32
        %sign3A_343 = arith.cmpi sgt, %squeeze3A_335, %sign3A_342 : i32
        %sign3A_344 = arith.extui %sign3A_343 : i1 to i32
        %sign3A_345 = arith.constant 0 : i32
        %sign3A_346 = arith.cmpi slt, %squeeze3A_335, %sign3A_345 : i32
        %sign3A_347 = arith.extui %sign3A_346 : i1 to i32
        %sign3A_348 = arith.subi %sign3A_344, %sign3A_347 : i32
        %sign3A_349 = arith.constant 0 : i32
        %sign3A_350 = arith.cmpi sgt, %jit3A_340, %sign3A_349 : i32
        %sign3A_351 = arith.extui %sign3A_350 : i1 to i32
        %sign3A_352 = arith.constant 0 : i32
        %sign3A_353 = arith.cmpi slt, %jit3A_340, %sign3A_352 : i32
        %sign3A_354 = arith.extui %sign3A_353 : i1 to i32
        %sign3A_355 = arith.subi %sign3A_351, %sign3A_354 : i32
        %ne3A_356 = arith.cmpi ne, %sign3A_348, %sign3A_355 : i32
        %rem3A_357 = arith.remsi %squeeze3A_335, %jit3A_340 : i32
        %ne3A_358 = arith.constant 0 : i32
        %ne3A_359 = arith.cmpi ne, %rem3A_357, %ne3A_358 : i32
        %and3A_360 = arith.andi %ne3A_356, %ne3A_359 : i1
        %sub3A_361 = arith.constant 1 : i32
        %sub3A_362 = arith.subi %div3A_341, %sub3A_361 : i32
        %select_n3A_363 = arith.select %and3A_360, %sub3A_362, %div3A_341 : i32
        %mul3A_364 = arith.constant 16 : i32
        %mul3A_365 = arith.muli %select_n3A_363, %mul3A_364 : i32
        %jit3A_366 = arith.constant 16 : i32
        %eq3A_367 = arith.constant 0 : i32
        %eq3A_368 = arith.cmpi eq, %jit3A_366, %eq3A_367 : i32
        %jit3A_369 = arith.constant 1 : i32
        %select_n3A_370 = arith.select %eq3A_368, %jit3A_369, %jit3A_366 : i32
        %rem3A_371 = arith.remsi %squeeze3A_335, %select_n3A_370 : i32
        %ne3A_372 = arith.constant 0 : i32
        %ne3A_373 = arith.cmpi ne, %rem3A_371, %ne3A_372 : i32
        %lt3A_374 = arith.constant 0 : i32
        %lt3A_375 = arith.cmpi slt, %rem3A_371, %lt3A_374 : i32
        %lt3A_376 = arith.constant 0 : i32
        %lt3A_377 = arith.cmpi slt, %select_n3A_370, %lt3A_376 : i32
        %ne3A_378 = arith.xori %lt3A_375, %lt3A_377 : i1
        %and3A_379 = arith.andi %ne3A_378, %ne3A_373 : i1
        %add3A_380 = arith.addi %rem3A_371, %select_n3A_370 : i32
        %select_n3A_381 = arith.select %and3A_379, %add3A_380, %rem3A_371 : i32
        %eq3A_382 = vector.broadcast %select_n3A_381 : i32 to vector<16xi32>
        %eq3A_383 = arith.cmpi eq, %iota3A, %eq3A_382 : vector<16xi32>
        %jit3A_384 = arith.constant 0.000000e+00 : f32
        %broadcast_in_dim3A_385 = vector.broadcast %scan3A_23 : f32 to vector<16xf32>
        %broadcast_in_dim3A_386 = vector.broadcast %jit3A_384 : f32 to vector<16xf32>
        %select_n3A_387 = arith.select %eq3A_383, %broadcast_in_dim3A_385, %broadcast_in_dim3A_386 : vector<16xi1>, vector<16xf32>
        %mul3A_388 = arith.constant 1024 : i32
        %mul3A_389 = arith.muli %add3A_339, %mul3A_388 : i32
        %add3A_390 = arith.addi %mul3A_389, %mul3A_365 : i32
        %multiple_of3A_391 = tpu.assume_multiple %add3A_390, 16 : i32
        %swap3A_392 = arith.index_cast %multiple_of3A_391 : i32 to index
        %swap3A_393 = tpu.vector_load %arg5[%swap3A_392] {strides = array<i32>} : memref<65536xf32, #tpu.memory_space<vmem>>, vector<16xf32>,
        %swap3A_394 = vector.shape_cast %swap3A_393 : vector<16xf32> to vector<16xf32>
        %swap3A_395 = vector.shape_cast %select_n3A_387 : vector<16xf32> to vector<16xf32>
        tpu.vector_store %arg5[%swap3A_392], %swap3A_395 {strides = array<i32>} : memref<65536xf32, #tpu.memory_space<vmem>>, vector<16xf32>,
        %slice3A_396 = vector.extract_strided_slice %get3A_37 {offsets = [6], sizes = [1], strides = [1]} : vector<16xi32> to vector<1xi32>
        %squeeze3A_397 = vector.extract %slice3A_396[0] : i32 from vector<1xi32>
        %mul3A_398 = arith.constant 16 : i32
        %mul3A_399 = arith.muli %scan3A_29, %mul3A_398 : i32
        %add3A_400 = arith.constant 6 : i32
        %add3A_401 = arith.addi %mul3A_399, %add3A_400 : i32
        %jit3A_402 = arith.constant 16 : i32
        %div3A_403 = arith.divsi %squeeze3A_397, %jit3A_402 : i32
        %sign3A_404 = arith.constant 0 : i32
        %sign3A_405 = arith.cmpi sgt, %squeeze3A_397, %sign3A_404 : i32
        %sign3A_406 = arith.extui %sign3A_405 : i1 to i32
        %sign3A_407 = arith.constant 0 : i32
        %sign3A_408 = arith.cmpi slt, %squeeze3A_397, %sign3A_407 : i32
        %sign3A_409 = arith.extui %sign3A_408 : i1 to i32
        %sign3A_410 = arith.subi %sign3A_406, %sign3A_409 : i32
        %sign3A_411 = arith.constant 0 : i32
        %sign3A_412 = arith.cmpi sgt, %jit3A_402, %sign3A_411 : i32
        %sign3A_413 = arith.extui %sign3A_412 : i1 to i32
        %sign3A_414 = arith.constant 0 : i32
        %sign3A_415 = arith.cmpi slt, %jit3A_402, %sign3A_414 : i32
        %sign3A_416 = arith.extui %sign3A_415 : i1 to i32
        %sign3A_417 = arith.subi %sign3A_413, %sign3A_416 : i32
        %ne3A_418 = arith.cmpi ne, %sign3A_410, %sign3A_417 : i32
        %rem3A_419 = arith.remsi %squeeze3A_397, %jit3A_402 : i32
        %ne3A_420 = arith.constant 0 : i32
        %ne3A_421 = arith.cmpi ne, %rem3A_419, %ne3A_420 : i32
        %and3A_422 = arith.andi %ne3A_418, %ne3A_421 : i1
        %sub3A_423 = arith.constant 1 : i32
        %sub3A_424 = arith.subi %div3A_403, %sub3A_423 : i32
        %select_n3A_425 = arith.select %and3A_422, %sub3A_424, %div3A_403 : i32
        %mul3A_426 = arith.constant 16 : i32
        %mul3A_427 = arith.muli %select_n3A_425, %mul3A_426 : i32
        %jit3A_428 = arith.constant 16 : i32
        %eq3A_429 = arith.constant 0 : i32
        %eq3A_430 = arith.cmpi eq, %jit3A_428, %eq3A_429 : i32
        %jit3A_431 = arith.constant 1 : i32
        %select_n3A_432 = arith.select %eq3A_430, %jit3A_431, %jit3A_428 : i32
        %rem3A_433 = arith.remsi %squeeze3A_397, %select_n3A_432 : i32
        %ne3A_434 = arith.constant 0 : i32
        %ne3A_435 = arith.cmpi ne, %rem3A_433, %ne3A_434 : i32
        %lt3A_436 = arith.constant 0 : i32
        %lt3A_437 = arith.cmpi slt, %rem3A_433, %lt3A_436 : i32
        %lt3A_438 = arith.constant 0 : i32
        %lt3A_439 = arith.cmpi slt, %select_n3A_432, %lt3A_438 : i32
        %ne3A_440 = arith.xori %lt3A_437, %lt3A_439 : i1
        %and3A_441 = arith.andi %ne3A_440, %ne3A_435 : i1
        %add3A_442 = arith.addi %rem3A_433, %select_n3A_432 : i32
        %select_n3A_443 = arith.select %and3A_441, %add3A_442, %rem3A_433 : i32
        %eq3A_444 = vector.broadcast %select_n3A_443 : i32 to vector<16xi32>
        %eq3A_445 = arith.cmpi eq, %iota3A, %eq3A_444 : vector<16xi32>
        %jit3A_446 = arith.constant 0.000000e+00 : f32
        %broadcast_in_dim3A_447 = vector.broadcast %scan3A_23 : f32 to vector<16xf32>
        %broadcast_in_dim3A_448 = vector.broadcast %jit3A_446 : f32 to vector<16xf32>
        %select_n3A_449 = arith.select %eq3A_445, %broadcast_in_dim3A_447, %broadcast_in_dim3A_448 : vector<16xi1>, vector<16xf32>
        %mul3A_450 = arith.constant 1024 : i32
        %mul3A_451 = arith.muli %add3A_401, %mul3A_450 : i32
        %add3A_452 = arith.addi %mul3A_451, %mul3A_427 : i32
        %multiple_of3A_453 = tpu.assume_multiple %add3A_452, 16 : i32
        %swap3A_454 = arith.index_cast %multiple_of3A_453 : i32 to index
        %swap3A_455 = tpu.vector_load %arg5[%swap3A_454] {strides = array<i32>} : memref<65536xf32, #tpu.memory_space<vmem>>, vector<16xf32>,
        %swap3A_456 = vector.shape_cast %swap3A_455 : vector<16xf32> to vector<16xf32>
        %swap3A_457 = vector.shape_cast %select_n3A_449 : vector<16xf32> to vector<16xf32>
        tpu.vector_store %arg5[%swap3A_454], %swap3A_457 {strides = array<i32>} : memref<65536xf32, #tpu.memory_space<vmem>>, vector<16xf32>,
        %slice3A_458 = vector.extract_strided_slice %get3A_37 {offsets = [7], sizes = [1], strides = [1]} : vector<16xi32> to vector<1xi32>
        %squeeze3A_459 = vector.extract %slice3A_458[0] : i32 from vector<1xi32>
        %mul3A_460 = arith.constant 16 : i32
        %mul3A_461 = arith.muli %scan3A_29, %mul3A_460 : i32
        %add3A_462 = arith.constant 7 : i32
        %add3A_463 = arith.addi %mul3A_461, %add3A_462 : i32
        %jit3A_464 = arith.constant 16 : i32
        %div3A_465 = arith.divsi %squeeze3A_459, %jit3A_464 : i32
        %sign3A_466 = arith.constant 0 : i32
        %sign3A_467 = arith.cmpi sgt, %squeeze3A_459, %sign3A_466 : i32
        %sign3A_468 = arith.extui %sign3A_467 : i1 to i32
        %sign3A_469 = arith.constant 0 : i32
        %sign3A_470 = arith.cmpi slt, %squeeze3A_459, %sign3A_469 : i32
        %sign3A_471 = arith.extui %sign3A_470 : i1 to i32
        %sign3A_472 = arith.subi %sign3A_468, %sign3A_471 : i32
        %sign3A_473 = arith.constant 0 : i32
        %sign3A_474 = arith.cmpi sgt, %jit3A_464, %sign3A_473 : i32
        %sign3A_475 = arith.extui %sign3A_474 : i1 to i32
        %sign3A_476 = arith.constant 0 : i32
        %sign3A_477 = arith.cmpi slt, %jit3A_464, %sign3A_476 : i32
        %sign3A_478 = arith.extui %sign3A_477 : i1 to i32
        %sign3A_479 = arith.subi %sign3A_475, %sign3A_478 : i32
        %ne3A_480 = arith.cmpi ne, %sign3A_472, %sign3A_479 : i32
        %rem3A_481 = arith.remsi %squeeze3A_459, %jit3A_464 : i32
        %ne3A_482 = arith.constant 0 : i32
        %ne3A_483 = arith.cmpi ne, %rem3A_481, %ne3A_482 : i32
        %and3A_484 = arith.andi %ne3A_480, %ne3A_483 : i1
        %sub3A_485 = arith.constant 1 : i32
        %sub3A_486 = arith.subi %div3A_465, %sub3A_485 : i32
        %select_n3A_487 = arith.select %and3A_484, %sub3A_486, %div3A_465 : i32
        %mul3A_488 = arith.constant 16 : i32
        %mul3A_489 = arith.muli %select_n3A_487, %mul3A_488 : i32
        %jit3A_490 = arith.constant 16 : i32
        %eq3A_491 = arith.constant 0 : i32
        %eq3A_492 = arith.cmpi eq, %jit3A_490, %eq3A_491 : i32
        %jit3A_493 = arith.constant 1 : i32
        %select_n3A_494 = arith.select %eq3A_492, %jit3A_493, %jit3A_490 : i32
        %rem3A_495 = arith.remsi %squeeze3A_459, %select_n3A_494 : i32
        %ne3A_496 = arith.constant 0 : i32
        %ne3A_497 = arith.cmpi ne, %rem3A_495, %ne3A_496 : i32
        %lt3A_498 = arith.constant 0 : i32
        %lt3A_499 = arith.cmpi slt, %rem3A_495, %lt3A_498 : i32
        %lt3A_500 = arith.constant 0 : i32
        %lt3A_501 = arith.cmpi slt, %select_n3A_494, %lt3A_500 : i32
        %ne3A_502 = arith.xori %lt3A_499, %lt3A_501 : i1
        %and3A_503 = arith.andi %ne3A_502, %ne3A_497 : i1
        %add3A_504 = arith.addi %rem3A_495, %select_n3A_494 : i32
        %select_n3A_505 = arith.select %and3A_503, %add3A_504, %rem3A_495 : i32
        %eq3A_506 = vector.broadcast %select_n3A_505 : i32 to vector<16xi32>
        %eq3A_507 = arith.cmpi eq, %iota3A, %eq3A_506 : vector<16xi32>
        %jit3A_508 = arith.constant 0.000000e+00 : f32
        %broadcast_in_dim3A_509 = vector.broadcast %scan3A_23 : f32 to vector<16xf32>
        %broadcast_in_dim3A_510 = vector.broadcast %jit3A_508 : f32 to vector<16xf32>
        %select_n3A_511 = arith.select %eq3A_507, %broadcast_in_dim3A_509, %broadcast_in_dim3A_510 : vector<16xi1>, vector<16xf32>
        %mul3A_512 = arith.constant 1024 : i32
        %mul3A_513 = arith.muli %add3A_463, %mul3A_512 : i32
        %add3A_514 = arith.addi %mul3A_513, %mul3A_489 : i32
        %multiple_of3A_515 = tpu.assume_multiple %add3A_514, 16 : i32
        %swap3A_516 = arith.index_cast %multiple_of3A_515 : i32 to index
        %swap3A_517 = tpu.vector_load %arg5[%swap3A_516] {strides = array<i32>} : memref<65536xf32, #tpu.memory_space<vmem>>, vector<16xf32>,
        %swap3A_518 = vector.shape_cast %swap3A_517 : vector<16xf32> to vector<16xf32>
        %swap3A_519 = vector.shape_cast %select_n3A_511 : vector<16xf32> to vector<16xf32>
        tpu.vector_store %arg5[%swap3A_516], %swap3A_519 {strides = array<i32>} : memref<65536xf32, #tpu.memory_space<vmem>>, vector<16xf32>,
        %slice3A_520 = vector.extract_strided_slice %get3A_37 {offsets = [8], sizes = [1], strides = [1]} : vector<16xi32> to vector<1xi32>
        %squeeze3A_521 = vector.extract %slice3A_520[0] : i32 from vector<1xi32>
        %mul3A_522 = arith.constant 16 : i32
        %mul3A_523 = arith.muli %scan3A_29, %mul3A_522 : i32
        %add3A_524 = arith.constant 8 : i32
        %add3A_525 = arith.addi %mul3A_523, %add3A_524 : i32
        %jit3A_526 = arith.constant 16 : i32
        %div3A_527 = arith.divsi %squeeze3A_521, %jit3A_526 : i32
        %sign3A_528 = arith.constant 0 : i32
        %sign3A_529 = arith.cmpi sgt, %squeeze3A_521, %sign3A_528 : i32
        %sign3A_530 = arith.extui %sign3A_529 : i1 to i32
        %sign3A_531 = arith.constant 0 : i32
        %sign3A_532 = arith.cmpi slt, %squeeze3A_521, %sign3A_531 : i32
        %sign3A_533 = arith.extui %sign3A_532 : i1 to i32
        %sign3A_534 = arith.subi %sign3A_530, %sign3A_533 : i32
        %sign3A_535 = arith.constant 0 : i32
        %sign3A_536 = arith.cmpi sgt, %jit3A_526, %sign3A_535 : i32
        %sign3A_537 = arith.extui %sign3A_536 : i1 to i32
        %sign3A_538 = arith.constant 0 : i32
        %sign3A_539 = arith.cmpi slt, %jit3A_526, %sign3A_538 : i32
        %sign3A_540 = arith.extui %sign3A_539 : i1 to i32
        %sign3A_541 = arith.subi %sign3A_537, %sign3A_540 : i32
        %ne3A_542 = arith.cmpi ne, %sign3A_534, %sign3A_541 : i32
        %rem3A_543 = arith.remsi %squeeze3A_521, %jit3A_526 : i32
        %ne3A_544 = arith.constant 0 : i32
        %ne3A_545 = arith.cmpi ne, %rem3A_543, %ne3A_544 : i32
        %and3A_546 = arith.andi %ne3A_542, %ne3A_545 : i1
        %sub3A_547 = arith.constant 1 : i32
        %sub3A_548 = arith.subi %div3A_527, %sub3A_547 : i32
        %select_n3A_549 = arith.select %and3A_546, %sub3A_548, %div3A_527 : i32
        %mul3A_550 = arith.constant 16 : i32
        %mul3A_551 = arith.muli %select_n3A_549, %mul3A_550 : i32
        %jit3A_552 = arith.constant 16 : i32
        %eq3A_553 = arith.constant 0 : i32
        %eq3A_554 = arith.cmpi eq, %jit3A_552, %eq3A_553 : i32
        %jit3A_555 = arith.constant 1 : i32
        %select_n3A_556 = arith.select %eq3A_554, %jit3A_555, %jit3A_552 : i32
        %rem3A_557 = arith.remsi %squeeze3A_521, %select_n3A_556 : i32
        %ne3A_558 = arith.constant 0 : i32
        %ne3A_559 = arith.cmpi ne, %rem3A_557, %ne3A_558 : i32
        %lt3A_560 = arith.constant 0 : i32
        %lt3A_561 = arith.cmpi slt, %rem3A_557, %lt3A_560 : i32
        %lt3A_562 = arith.constant 0 : i32
        %lt3A_563 = arith.cmpi slt, %select_n3A_556, %lt3A_562 : i32
        %ne3A_564 = arith.xori %lt3A_561, %lt3A_563 : i1
        %and3A_565 = arith.andi %ne3A_564, %ne3A_559 : i1
        %add3A_566 = arith.addi %rem3A_557, %select_n3A_556 : i32
        %select_n3A_567 = arith.select %and3A_565, %add3A_566, %rem3A_557 : i32
        %eq3A_568 = vector.broadcast %select_n3A_567 : i32 to vector<16xi32>
        %eq3A_569 = arith.cmpi eq, %iota3A, %eq3A_568 : vector<16xi32>
        %jit3A_570 = arith.constant 0.000000e+00 : f32
        %broadcast_in_dim3A_571 = vector.broadcast %scan3A_23 : f32 to vector<16xf32>
        %broadcast_in_dim3A_572 = vector.broadcast %jit3A_570 : f32 to vector<16xf32>
        %select_n3A_573 = arith.select %eq3A_569, %broadcast_in_dim3A_571, %broadcast_in_dim3A_572 : vector<16xi1>, vector<16xf32>
        %mul3A_574 = arith.constant 1024 : i32
        %mul3A_575 = arith.muli %add3A_525, %mul3A_574 : i32
        %add3A_576 = arith.addi %mul3A_575, %mul3A_551 : i32
        %multiple_of3A_577 = tpu.assume_multiple %add3A_576, 16 : i32
        %swap3A_578 = arith.index_cast %multiple_of3A_577 : i32 to index
        %swap3A_579 = tpu.vector_load %arg5[%swap3A_578] {strides = array<i32>} : memref<65536xf32, #tpu.memory_space<vmem>>, vector<16xf32>,
        %swap3A_580 = vector.shape_cast %swap3A_579 : vector<16xf32> to vector<16xf32>
        %swap3A_581 = vector.shape_cast %select_n3A_573 : vector<16xf32> to vector<16xf32>
        tpu.vector_store %arg5[%swap3A_578], %swap3A_581 {strides = array<i32>} : memref<65536xf32, #tpu.memory_space<vmem>>, vector<16xf32>,
        %slice3A_582 = vector.extract_strided_slice %get3A_37 {offsets = [9], sizes = [1], strides = [1]} : vector<16xi32> to vector<1xi32>
        %squeeze3A_583 = vector.extract %slice3A_582[0] : i32 from vector<1xi32>
        %mul3A_584 = arith.constant 16 : i32
        %mul3A_585 = arith.muli %scan3A_29, %mul3A_584 : i32
        %add3A_586 = arith.constant 9 : i32
        %add3A_587 = arith.addi %mul3A_585, %add3A_586 : i32
        %jit3A_588 = arith.constant 16 : i32
        %div3A_589 = arith.divsi %squeeze3A_583, %jit3A_588 : i32
        %sign3A_590 = arith.constant 0 : i32
        %sign3A_591 = arith.cmpi sgt, %squeeze3A_583, %sign3A_590 : i32
        %sign3A_592 = arith.extui %sign3A_591 : i1 to i32
        %sign3A_593 = arith.constant 0 : i32
        %sign3A_594 = arith.cmpi slt, %squeeze3A_583, %sign3A_593 : i32
        %sign3A_595 = arith.extui %sign3A_594 : i1 to i32
        %sign3A_596 = arith.subi %sign3A_592, %sign3A_595 : i32
        %sign3A_597 = arith.constant 0 : i32
        %sign3A_598 = arith.cmpi sgt, %jit3A_588, %sign3A_597 : i32
        %sign3A_599 = arith.extui %sign3A_598 : i1 to i32
        %sign3A_600 = arith.constant 0 : i32
        %sign3A_601 = arith.cmpi slt, %jit3A_588, %sign3A_600 : i32
        %sign3A_602 = arith.extui %sign3A_601 : i1 to i32
        %sign3A_603 = arith.subi %sign3A_599, %sign3A_602 : i32
        %ne3A_604 = arith.cmpi ne, %sign3A_596, %sign3A_603 : i32
        %rem3A_605 = arith.remsi %squeeze3A_583, %jit3A_588 : i32
        %ne3A_606 = arith.constant 0 : i32
        %ne3A_607 = arith.cmpi ne, %rem3A_605, %ne3A_606 : i32
        %and3A_608 = arith.andi %ne3A_604, %ne3A_607 : i1
        %sub3A_609 = arith.constant 1 : i32
        %sub3A_610 = arith.subi %div3A_589, %sub3A_609 : i32
        %select_n3A_611 = arith.select %and3A_608, %sub3A_610, %div3A_589 : i32
        %mul3A_612 = arith.constant 16 : i32
        %mul3A_613 = arith.muli %select_n3A_611, %mul3A_612 : i32
        %jit3A_614 = arith.constant 16 : i32
        %eq3A_615 = arith.constant 0 : i32
        %eq3A_616 = arith.cmpi eq, %jit3A_614, %eq3A_615 : i32
        %jit3A_617 = arith.constant 1 : i32
        %select_n3A_618 = arith.select %eq3A_616, %jit3A_617, %jit3A_614 : i32
        %rem3A_619 = arith.remsi %squeeze3A_583, %select_n3A_618 : i32
        %ne3A_620 = arith.constant 0 : i32
        %ne3A_621 = arith.cmpi ne, %rem3A_619, %ne3A_620 : i32
        %lt3A_622 = arith.constant 0 : i32
        %lt3A_623 = arith.cmpi slt, %rem3A_619, %lt3A_622 : i32
        %lt3A_624 = arith.constant 0 : i32
        %lt3A_625 = arith.cmpi slt, %select_n3A_618, %lt3A_624 : i32
        %ne3A_626 = arith.xori %lt3A_623, %lt3A_625 : i1
        %and3A_627 = arith.andi %ne3A_626, %ne3A_621 : i1
        %add3A_628 = arith.addi %rem3A_619, %select_n3A_618 : i32
        %select_n3A_629 = arith.select %and3A_627, %add3A_628, %rem3A_619 : i32
        %eq3A_630 = vector.broadcast %select_n3A_629 : i32 to vector<16xi32>
        %eq3A_631 = arith.cmpi eq, %iota3A, %eq3A_630 : vector<16xi32>
        %jit3A_632 = arith.constant 0.000000e+00 : f32
        %broadcast_in_dim3A_633 = vector.broadcast %scan3A_23 : f32 to vector<16xf32>
        %broadcast_in_dim3A_634 = vector.broadcast %jit3A_632 : f32 to vector<16xf32>
        %select_n3A_635 = arith.select %eq3A_631, %broadcast_in_dim3A_633, %broadcast_in_dim3A_634 : vector<16xi1>, vector<16xf32>
        %mul3A_636 = arith.constant 1024 : i32
        %mul3A_637 = arith.muli %add3A_587, %mul3A_636 : i32
        %add3A_638 = arith.addi %mul3A_637, %mul3A_613 : i32
        %multiple_of3A_639 = tpu.assume_multiple %add3A_638, 16 : i32
        %swap3A_640 = arith.index_cast %multiple_of3A_639 : i32 to index
        %swap3A_641 = tpu.vector_load %arg5[%swap3A_640] {strides = array<i32>} : memref<65536xf32, #tpu.memory_space<vmem>>, vector<16xf32>,
        %swap3A_642 = vector.shape_cast %swap3A_641 : vector<16xf32> to vector<16xf32>
        %swap3A_643 = vector.shape_cast %select_n3A_635 : vector<16xf32> to vector<16xf32>
        tpu.vector_store %arg5[%swap3A_640], %swap3A_643 {strides = array<i32>} : memref<65536xf32, #tpu.memory_space<vmem>>, vector<16xf32>,
        %slice3A_644 = vector.extract_strided_slice %get3A_37 {offsets = [10], sizes = [1], strides = [1]} : vector<16xi32> to vector<1xi32>
        %squeeze3A_645 = vector.extract %slice3A_644[0] : i32 from vector<1xi32>
        %mul3A_646 = arith.constant 16 : i32
        %mul3A_647 = arith.muli %scan3A_29, %mul3A_646 : i32
        %add3A_648 = arith.constant 10 : i32
        %add3A_649 = arith.addi %mul3A_647, %add3A_648 : i32
        %jit3A_650 = arith.constant 16 : i32
        %div3A_651 = arith.divsi %squeeze3A_645, %jit3A_650 : i32
        %sign3A_652 = arith.constant 0 : i32
        %sign3A_653 = arith.cmpi sgt, %squeeze3A_645, %sign3A_652 : i32
        %sign3A_654 = arith.extui %sign3A_653 : i1 to i32
        %sign3A_655 = arith.constant 0 : i32
        %sign3A_656 = arith.cmpi slt, %squeeze3A_645, %sign3A_655 : i32
        %sign3A_657 = arith.extui %sign3A_656 : i1 to i32
        %sign3A_658 = arith.subi %sign3A_654, %sign3A_657 : i32
        %sign3A_659 = arith.constant 0 : i32
        %sign3A_660 = arith.cmpi sgt, %jit3A_650, %sign3A_659 : i32
        %sign3A_661 = arith.extui %sign3A_660 : i1 to i32
        %sign3A_662 = arith.constant 0 : i32
        %sign3A_663 = arith.cmpi slt, %jit3A_650, %sign3A_662 : i32
        %sign3A_664 = arith.extui %sign3A_663 : i1 to i32
        %sign3A_665 = arith.subi %sign3A_661, %sign3A_664 : i32
        %ne3A_666 = arith.cmpi ne, %sign3A_658, %sign3A_665 : i32
        %rem3A_667 = arith.remsi %squeeze3A_645, %jit3A_650 : i32
        %ne3A_668 = arith.constant 0 : i32
        %ne3A_669 = arith.cmpi ne, %rem3A_667, %ne3A_668 : i32
        %and3A_670 = arith.andi %ne3A_666, %ne3A_669 : i1
        %sub3A_671 = arith.constant 1 : i32
        %sub3A_672 = arith.subi %div3A_651, %sub3A_671 : i32
        %select_n3A_673 = arith.select %and3A_670, %sub3A_672, %div3A_651 : i32
        %mul3A_674 = arith.constant 16 : i32
        %mul3A_675 = arith.muli %select_n3A_673, %mul3A_674 : i32
        %jit3A_676 = arith.constant 16 : i32
        %eq3A_677 = arith.constant 0 : i32
        %eq3A_678 = arith.cmpi eq, %jit3A_676, %eq3A_677 : i32
        %jit3A_679 = arith.constant 1 : i32
        %select_n3A_680 = arith.select %eq3A_678, %jit3A_679, %jit3A_676 : i32
        %rem3A_681 = arith.remsi %squeeze3A_645, %select_n3A_680 : i32
        %ne3A_682 = arith.constant 0 : i32
        %ne3A_683 = arith.cmpi ne, %rem3A_681, %ne3A_682 : i32
        %lt3A_684 = arith.constant 0 : i32
        %lt3A_685 = arith.cmpi slt, %rem3A_681, %lt3A_684 : i32
        %lt3A_686 = arith.constant 0 : i32
        %lt3A_687 = arith.cmpi slt, %select_n3A_680, %lt3A_686 : i32
        %ne3A_688 = arith.xori %lt3A_685, %lt3A_687 : i1
        %and3A_689 = arith.andi %ne3A_688, %ne3A_683 : i1
        %add3A_690 = arith.addi %rem3A_681, %select_n3A_680 : i32
        %select_n3A_691 = arith.select %and3A_689, %add3A_690, %rem3A_681 : i32
        %eq3A_692 = vector.broadcast %select_n3A_691 : i32 to vector<16xi32>
        %eq3A_693 = arith.cmpi eq, %iota3A, %eq3A_692 : vector<16xi32>
        %jit3A_694 = arith.constant 0.000000e+00 : f32
        %broadcast_in_dim3A_695 = vector.broadcast %scan3A_23 : f32 to vector<16xf32>
        %broadcast_in_dim3A_696 = vector.broadcast %jit3A_694 : f32 to vector<16xf32>
        %select_n3A_697 = arith.select %eq3A_693, %broadcast_in_dim3A_695, %broadcast_in_dim3A_696 : vector<16xi1>, vector<16xf32>
        %mul3A_698 = arith.constant 1024 : i32
        %mul3A_699 = arith.muli %add3A_649, %mul3A_698 : i32
        %add3A_700 = arith.addi %mul3A_699, %mul3A_675 : i32
        %multiple_of3A_701 = tpu.assume_multiple %add3A_700, 16 : i32
        %swap3A_702 = arith.index_cast %multiple_of3A_701 : i32 to index
        %swap3A_703 = tpu.vector_load %arg5[%swap3A_702] {strides = array<i32>} : memref<65536xf32, #tpu.memory_space<vmem>>, vector<16xf32>,
        %swap3A_704 = vector.shape_cast %swap3A_703 : vector<16xf32> to vector<16xf32>
        %swap3A_705 = vector.shape_cast %select_n3A_697 : vector<16xf32> to vector<16xf32>
        tpu.vector_store %arg5[%swap3A_702], %swap3A_705 {strides = array<i32>} : memref<65536xf32, #tpu.memory_space<vmem>>, vector<16xf32>,
        %slice3A_706 = vector.extract_strided_slice %get3A_37 {offsets = [11], sizes = [1], strides = [1]} : vector<16xi32> to vector<1xi32>
        %squeeze3A_707 = vector.extract %slice3A_706[0] : i32 from vector<1xi32>
        %mul3A_708 = arith.constant 16 : i32
        %mul3A_709 = arith.muli %scan3A_29, %mul3A_708 : i32
        %add3A_710 = arith.constant 11 : i32
        %add3A_711 = arith.addi %mul3A_709, %add3A_710 : i32
        %jit3A_712 = arith.constant 16 : i32
        %div3A_713 = arith.divsi %squeeze3A_707, %jit3A_712 : i32
        %sign3A_714 = arith.constant 0 : i32
        %sign3A_715 = arith.cmpi sgt, %squeeze3A_707, %sign3A_714 : i32
        %sign3A_716 = arith.extui %sign3A_715 : i1 to i32
        %sign3A_717 = arith.constant 0 : i32
        %sign3A_718 = arith.cmpi slt, %squeeze3A_707, %sign3A_717 : i32
        %sign3A_719 = arith.extui %sign3A_718 : i1 to i32
        %sign3A_720 = arith.subi %sign3A_716, %sign3A_719 : i32
        %sign3A_721 = arith.constant 0 : i32
        %sign3A_722 = arith.cmpi sgt, %jit3A_712, %sign3A_721 : i32
        %sign3A_723 = arith.extui %sign3A_722 : i1 to i32
        %sign3A_724 = arith.constant 0 : i32
        %sign3A_725 = arith.cmpi slt, %jit3A_712, %sign3A_724 : i32
        %sign3A_726 = arith.extui %sign3A_725 : i1 to i32
        %sign3A_727 = arith.subi %sign3A_723, %sign3A_726 : i32
        %ne3A_728 = arith.cmpi ne, %sign3A_720, %sign3A_727 : i32
        %rem3A_729 = arith.remsi %squeeze3A_707, %jit3A_712 : i32
        %ne3A_730 = arith.constant 0 : i32
        %ne3A_731 = arith.cmpi ne, %rem3A_729, %ne3A_730 : i32
        %and3A_732 = arith.andi %ne3A_728, %ne3A_731 : i1
        %sub3A_733 = arith.constant 1 : i32
        %sub3A_734 = arith.subi %div3A_713, %sub3A_733 : i32
        %select_n3A_735 = arith.select %and3A_732, %sub3A_734, %div3A_713 : i32
        %mul3A_736 = arith.constant 16 : i32
        %mul3A_737 = arith.muli %select_n3A_735, %mul3A_736 : i32
        %jit3A_738 = arith.constant 16 : i32
        %eq3A_739 = arith.constant 0 : i32
        %eq3A_740 = arith.cmpi eq, %jit3A_738, %eq3A_739 : i32
        %jit3A_741 = arith.constant 1 : i32
        %select_n3A_742 = arith.select %eq3A_740, %jit3A_741, %jit3A_738 : i32
        %rem3A_743 = arith.remsi %squeeze3A_707, %select_n3A_742 : i32
        %ne3A_744 = arith.constant 0 : i32
        %ne3A_745 = arith.cmpi ne, %rem3A_743, %ne3A_744 : i32
        %lt3A_746 = arith.constant 0 : i32
        %lt3A_747 = arith.cmpi slt, %rem3A_743, %lt3A_746 : i32
        %lt3A_748 = arith.constant 0 : i32
        %lt3A_749 = arith.cmpi slt, %select_n3A_742, %lt3A_748 : i32
        %ne3A_750 = arith.xori %lt3A_747, %lt3A_749 : i1
        %and3A_751 = arith.andi %ne3A_750, %ne3A_745 : i1
        %add3A_752 = arith.addi %rem3A_743, %select_n3A_742 : i32
        %select_n3A_753 = arith.select %and3A_751, %add3A_752, %rem3A_743 : i32
        %eq3A_754 = vector.broadcast %select_n3A_753 : i32 to vector<16xi32>
        %eq3A_755 = arith.cmpi eq, %iota3A, %eq3A_754 : vector<16xi32>
        %jit3A_756 = arith.constant 0.000000e+00 : f32
        %broadcast_in_dim3A_757 = vector.broadcast %scan3A_23 : f32 to vector<16xf32>
        %broadcast_in_dim3A_758 = vector.broadcast %jit3A_756 : f32 to vector<16xf32>
        %select_n3A_759 = arith.select %eq3A_755, %broadcast_in_dim3A_757, %broadcast_in_dim3A_758 : vector<16xi1>, vector<16xf32>
        %mul3A_760 = arith.constant 1024 : i32
        %mul3A_761 = arith.muli %add3A_711, %mul3A_760 : i32
        %add3A_762 = arith.addi %mul3A_761, %mul3A_737 : i32
        %multiple_of3A_763 = tpu.assume_multiple %add3A_762, 16 : i32
        %swap3A_764 = arith.index_cast %multiple_of3A_763 : i32 to index
        %swap3A_765 = tpu.vector_load %arg5[%swap3A_764] {strides = array<i32>} : memref<65536xf32, #tpu.memory_space<vmem>>, vector<16xf32>,
        %swap3A_766 = vector.shape_cast %swap3A_765 : vector<16xf32> to vector<16xf32>
        %swap3A_767 = vector.shape_cast %select_n3A_759 : vector<16xf32> to vector<16xf32>
        tpu.vector_store %arg5[%swap3A_764], %swap3A_767 {strides = array<i32>} : memref<65536xf32, #tpu.memory_space<vmem>>, vector<16xf32>,
        %slice3A_768 = vector.extract_strided_slice %get3A_37 {offsets = [12], sizes = [1], strides = [1]} : vector<16xi32> to vector<1xi32>
        %squeeze3A_769 = vector.extract %slice3A_768[0] : i32 from vector<1xi32>
        %mul3A_770 = arith.constant 16 : i32
        %mul3A_771 = arith.muli %scan3A_29, %mul3A_770 : i32
        %add3A_772 = arith.constant 12 : i32
        %add3A_773 = arith.addi %mul3A_771, %add3A_772 : i32
        %jit3A_774 = arith.constant 16 : i32
        %div3A_775 = arith.divsi %squeeze3A_769, %jit3A_774 : i32
        %sign3A_776 = arith.constant 0 : i32
        %sign3A_777 = arith.cmpi sgt, %squeeze3A_769, %sign3A_776 : i32
        %sign3A_778 = arith.extui %sign3A_777 : i1 to i32
        %sign3A_779 = arith.constant 0 : i32
        %sign3A_780 = arith.cmpi slt, %squeeze3A_769, %sign3A_779 : i32
        %sign3A_781 = arith.extui %sign3A_780 : i1 to i32
        %sign3A_782 = arith.subi %sign3A_778, %sign3A_781 : i32
        %sign3A_783 = arith.constant 0 : i32
        %sign3A_784 = arith.cmpi sgt, %jit3A_774, %sign3A_783 : i32
        %sign3A_785 = arith.extui %sign3A_784 : i1 to i32
        %sign3A_786 = arith.constant 0 : i32
        %sign3A_787 = arith.cmpi slt, %jit3A_774, %sign3A_786 : i32
        %sign3A_788 = arith.extui %sign3A_787 : i1 to i32
        %sign3A_789 = arith.subi %sign3A_785, %sign3A_788 : i32
        %ne3A_790 = arith.cmpi ne, %sign3A_782, %sign3A_789 : i32
        %rem3A_791 = arith.remsi %squeeze3A_769, %jit3A_774 : i32
        %ne3A_792 = arith.constant 0 : i32
        %ne3A_793 = arith.cmpi ne, %rem3A_791, %ne3A_792 : i32
        %and3A_794 = arith.andi %ne3A_790, %ne3A_793 : i1
        %sub3A_795 = arith.constant 1 : i32
        %sub3A_796 = arith.subi %div3A_775, %sub3A_795 : i32
        %select_n3A_797 = arith.select %and3A_794, %sub3A_796, %div3A_775 : i32
        %mul3A_798 = arith.constant 16 : i32
        %mul3A_799 = arith.muli %select_n3A_797, %mul3A_798 : i32
        %jit3A_800 = arith.constant 16 : i32
        %eq3A_801 = arith.constant 0 : i32
        %eq3A_802 = arith.cmpi eq, %jit3A_800, %eq3A_801 : i32
        %jit3A_803 = arith.constant 1 : i32
        %select_n3A_804 = arith.select %eq3A_802, %jit3A_803, %jit3A_800 : i32
        %rem3A_805 = arith.remsi %squeeze3A_769, %select_n3A_804 : i32
        %ne3A_806 = arith.constant 0 : i32
        %ne3A_807 = arith.cmpi ne, %rem3A_805, %ne3A_806 : i32
        %lt3A_808 = arith.constant 0 : i32
        %lt3A_809 = arith.cmpi slt, %rem3A_805, %lt3A_808 : i32
        %lt3A_810 = arith.constant 0 : i32
        %lt3A_811 = arith.cmpi slt, %select_n3A_804, %lt3A_810 : i32
        %ne3A_812 = arith.xori %lt3A_809, %lt3A_811 : i1
        %and3A_813 = arith.andi %ne3A_812, %ne3A_807 : i1
        %add3A_814 = arith.addi %rem3A_805, %select_n3A_804 : i32
        %select_n3A_815 = arith.select %and3A_813, %add3A_814, %rem3A_805 : i32
        %eq3A_816 = vector.broadcast %select_n3A_815 : i32 to vector<16xi32>
        %eq3A_817 = arith.cmpi eq, %iota3A, %eq3A_816 : vector<16xi32>
        %jit3A_818 = arith.constant 0.000000e+00 : f32
        %broadcast_in_dim3A_819 = vector.broadcast %scan3A_23 : f32 to vector<16xf32>
        %broadcast_in_dim3A_820 = vector.broadcast %jit3A_818 : f32 to vector<16xf32>
        %select_n3A_821 = arith.select %eq3A_817, %broadcast_in_dim3A_819, %broadcast_in_dim3A_820 : vector<16xi1>, vector<16xf32>
        %mul3A_822 = arith.constant 1024 : i32
        %mul3A_823 = arith.muli %add3A_773, %mul3A_822 : i32
        %add3A_824 = arith.addi %mul3A_823, %mul3A_799 : i32
        %multiple_of3A_825 = tpu.assume_multiple %add3A_824, 16 : i32
        %swap3A_826 = arith.index_cast %multiple_of3A_825 : i32 to index
        %swap3A_827 = tpu.vector_load %arg5[%swap3A_826] {strides = array<i32>} : memref<65536xf32, #tpu.memory_space<vmem>>, vector<16xf32>,
        %swap3A_828 = vector.shape_cast %swap3A_827 : vector<16xf32> to vector<16xf32>
        %swap3A_829 = vector.shape_cast %select_n3A_821 : vector<16xf32> to vector<16xf32>
        tpu.vector_store %arg5[%swap3A_826], %swap3A_829 {strides = array<i32>} : memref<65536xf32, #tpu.memory_space<vmem>>, vector<16xf32>,
        %slice3A_830 = vector.extract_strided_slice %get3A_37 {offsets = [13], sizes = [1], strides = [1]} : vector<16xi32> to vector<1xi32>
        %squeeze3A_831 = vector.extract %slice3A_830[0] : i32 from vector<1xi32>
        %mul3A_832 = arith.constant 16 : i32
        %mul3A_833 = arith.muli %scan3A_29, %mul3A_832 : i32
        %add3A_834 = arith.constant 13 : i32
        %add3A_835 = arith.addi %mul3A_833, %add3A_834 : i32
        %jit3A_836 = arith.constant 16 : i32
        %div3A_837 = arith.divsi %squeeze3A_831, %jit3A_836 : i32
        %sign3A_838 = arith.constant 0 : i32
        %sign3A_839 = arith.cmpi sgt, %squeeze3A_831, %sign3A_838 : i32
        %sign3A_840 = arith.extui %sign3A_839 : i1 to i32
        %sign3A_841 = arith.constant 0 : i32
        %sign3A_842 = arith.cmpi slt, %squeeze3A_831, %sign3A_841 : i32
        %sign3A_843 = arith.extui %sign3A_842 : i1 to i32
        %sign3A_844 = arith.subi %sign3A_840, %sign3A_843 : i32
        %sign3A_845 = arith.constant 0 : i32
        %sign3A_846 = arith.cmpi sgt, %jit3A_836, %sign3A_845 : i32
        %sign3A_847 = arith.extui %sign3A_846 : i1 to i32
        %sign3A_848 = arith.constant 0 : i32
        %sign3A_849 = arith.cmpi slt, %jit3A_836, %sign3A_848 : i32
        %sign3A_850 = arith.extui %sign3A_849 : i1 to i32
        %sign3A_851 = arith.subi %sign3A_847, %sign3A_850 : i32
        %ne3A_852 = arith.cmpi ne, %sign3A_844, %sign3A_851 : i32
        %rem3A_853 = arith.remsi %squeeze3A_831, %jit3A_836 : i32
        %ne3A_854 = arith.constant 0 : i32
        %ne3A_855 = arith.cmpi ne, %rem3A_853, %ne3A_854 : i32
        %and3A_856 = arith.andi %ne3A_852, %ne3A_855 : i1
        %sub3A_857 = arith.constant 1 : i32
        %sub3A_858 = arith.subi %div3A_837, %sub3A_857 : i32
        %select_n3A_859 = arith.select %and3A_856, %sub3A_858, %div3A_837 : i32
        %mul3A_860 = arith.constant 16 : i32
        %mul3A_861 = arith.muli %select_n3A_859, %mul3A_860 : i32
        %jit3A_862 = arith.constant 16 : i32
        %eq3A_863 = arith.constant 0 : i32
        %eq3A_864 = arith.cmpi eq, %jit3A_862, %eq3A_863 : i32
        %jit3A_865 = arith.constant 1 : i32
        %select_n3A_866 = arith.select %eq3A_864, %jit3A_865, %jit3A_862 : i32
        %rem3A_867 = arith.remsi %squeeze3A_831, %select_n3A_866 : i32
        %ne3A_868 = arith.constant 0 : i32
        %ne3A_869 = arith.cmpi ne, %rem3A_867, %ne3A_868 : i32
        %lt3A_870 = arith.constant 0 : i32
        %lt3A_871 = arith.cmpi slt, %rem3A_867, %lt3A_870 : i32
        %lt3A_872 = arith.constant 0 : i32
        %lt3A_873 = arith.cmpi slt, %select_n3A_866, %lt3A_872 : i32
        %ne3A_874 = arith.xori %lt3A_871, %lt3A_873 : i1
        %and3A_875 = arith.andi %ne3A_874, %ne3A_869 : i1
        %add3A_876 = arith.addi %rem3A_867, %select_n3A_866 : i32
        %select_n3A_877 = arith.select %and3A_875, %add3A_876, %rem3A_867 : i32
        %eq3A_878 = vector.broadcast %select_n3A_877 : i32 to vector<16xi32>
        %eq3A_879 = arith.cmpi eq, %iota3A, %eq3A_878 : vector<16xi32>
        %jit3A_880 = arith.constant 0.000000e+00 : f32
        %broadcast_in_dim3A_881 = vector.broadcast %scan3A_23 : f32 to vector<16xf32>
        %broadcast_in_dim3A_882 = vector.broadcast %jit3A_880 : f32 to vector<16xf32>
        %select_n3A_883 = arith.select %eq3A_879, %broadcast_in_dim3A_881, %broadcast_in_dim3A_882 : vector<16xi1>, vector<16xf32>
        %mul3A_884 = arith.constant 1024 : i32
        %mul3A_885 = arith.muli %add3A_835, %mul3A_884 : i32
        %add3A_886 = arith.addi %mul3A_885, %mul3A_861 : i32
        %multiple_of3A_887 = tpu.assume_multiple %add3A_886, 16 : i32
        %swap3A_888 = arith.index_cast %multiple_of3A_887 : i32 to index
        %swap3A_889 = tpu.vector_load %arg5[%swap3A_888] {strides = array<i32>} : memref<65536xf32, #tpu.memory_space<vmem>>, vector<16xf32>,
        %swap3A_890 = vector.shape_cast %swap3A_889 : vector<16xf32> to vector<16xf32>
        %swap3A_891 = vector.shape_cast %select_n3A_883 : vector<16xf32> to vector<16xf32>
        tpu.vector_store %arg5[%swap3A_888], %swap3A_891 {strides = array<i32>} : memref<65536xf32, #tpu.memory_space<vmem>>, vector<16xf32>,
        %slice3A_892 = vector.extract_strided_slice %get3A_37 {offsets = [14], sizes = [1], strides = [1]} : vector<16xi32> to vector<1xi32>
        %squeeze3A_893 = vector.extract %slice3A_892[0] : i32 from vector<1xi32>
        %mul3A_894 = arith.constant 16 : i32
        %mul3A_895 = arith.muli %scan3A_29, %mul3A_894 : i32
        %add3A_896 = arith.constant 14 : i32
        %add3A_897 = arith.addi %mul3A_895, %add3A_896 : i32
        %jit3A_898 = arith.constant 16 : i32
        %div3A_899 = arith.divsi %squeeze3A_893, %jit3A_898 : i32
        %sign3A_900 = arith.constant 0 : i32
        %sign3A_901 = arith.cmpi sgt, %squeeze3A_893, %sign3A_900 : i32
        %sign3A_902 = arith.extui %sign3A_901 : i1 to i32
        %sign3A_903 = arith.constant 0 : i32
        %sign3A_904 = arith.cmpi slt, %squeeze3A_893, %sign3A_903 : i32
        %sign3A_905 = arith.extui %sign3A_904 : i1 to i32
        %sign3A_906 = arith.subi %sign3A_902, %sign3A_905 : i32
        %sign3A_907 = arith.constant 0 : i32
        %sign3A_908 = arith.cmpi sgt, %jit3A_898, %sign3A_907 : i32
        %sign3A_909 = arith.extui %sign3A_908 : i1 to i32
        %sign3A_910 = arith.constant 0 : i32
        %sign3A_911 = arith.cmpi slt, %jit3A_898, %sign3A_910 : i32
        %sign3A_912 = arith.extui %sign3A_911 : i1 to i32
        %sign3A_913 = arith.subi %sign3A_909, %sign3A_912 : i32
        %ne3A_914 = arith.cmpi ne, %sign3A_906, %sign3A_913 : i32
        %rem3A_915 = arith.remsi %squeeze3A_893, %jit3A_898 : i32
        %ne3A_916 = arith.constant 0 : i32
        %ne3A_917 = arith.cmpi ne, %rem3A_915, %ne3A_916 : i32
        %and3A_918 = arith.andi %ne3A_914, %ne3A_917 : i1
        %sub3A_919 = arith.constant 1 : i32
        %sub3A_920 = arith.subi %div3A_899, %sub3A_919 : i32
        %select_n3A_921 = arith.select %and3A_918, %sub3A_920, %div3A_899 : i32
        %mul3A_922 = arith.constant 16 : i32
        %mul3A_923 = arith.muli %select_n3A_921, %mul3A_922 : i32
        %jit3A_924 = arith.constant 16 : i32
        %eq3A_925 = arith.constant 0 : i32
        %eq3A_926 = arith.cmpi eq, %jit3A_924, %eq3A_925 : i32
        %jit3A_927 = arith.constant 1 : i32
        %select_n3A_928 = arith.select %eq3A_926, %jit3A_927, %jit3A_924 : i32
        %rem3A_929 = arith.remsi %squeeze3A_893, %select_n3A_928 : i32
        %ne3A_930 = arith.constant 0 : i32
        %ne3A_931 = arith.cmpi ne, %rem3A_929, %ne3A_930 : i32
        %lt3A_932 = arith.constant 0 : i32
        %lt3A_933 = arith.cmpi slt, %rem3A_929, %lt3A_932 : i32
        %lt3A_934 = arith.constant 0 : i32
        %lt3A_935 = arith.cmpi slt, %select_n3A_928, %lt3A_934 : i32
        %ne3A_936 = arith.xori %lt3A_933, %lt3A_935 : i1
        %and3A_937 = arith.andi %ne3A_936, %ne3A_931 : i1
        %add3A_938 = arith.addi %rem3A_929, %select_n3A_928 : i32
        %select_n3A_939 = arith.select %and3A_937, %add3A_938, %rem3A_929 : i32
        %eq3A_940 = vector.broadcast %select_n3A_939 : i32 to vector<16xi32>
        %eq3A_941 = arith.cmpi eq, %iota3A, %eq3A_940 : vector<16xi32>
        %jit3A_942 = arith.constant 0.000000e+00 : f32
        %broadcast_in_dim3A_943 = vector.broadcast %scan3A_23 : f32 to vector<16xf32>
        %broadcast_in_dim3A_944 = vector.broadcast %jit3A_942 : f32 to vector<16xf32>
        %select_n3A_945 = arith.select %eq3A_941, %broadcast_in_dim3A_943, %broadcast_in_dim3A_944 : vector<16xi1>, vector<16xf32>
        %mul3A_946 = arith.constant 1024 : i32
        %mul3A_947 = arith.muli %add3A_897, %mul3A_946 : i32
        %add3A_948 = arith.addi %mul3A_947, %mul3A_923 : i32
        %multiple_of3A_949 = tpu.assume_multiple %add3A_948, 16 : i32
        %swap3A_950 = arith.index_cast %multiple_of3A_949 : i32 to index
        %swap3A_951 = tpu.vector_load %arg5[%swap3A_950] {strides = array<i32>} : memref<65536xf32, #tpu.memory_space<vmem>>, vector<16xf32>,
        %swap3A_952 = vector.shape_cast %swap3A_951 : vector<16xf32> to vector<16xf32>
        %swap3A_953 = vector.shape_cast %select_n3A_945 : vector<16xf32> to vector<16xf32>
        tpu.vector_store %arg5[%swap3A_950], %swap3A_953 {strides = array<i32>} : memref<65536xf32, #tpu.memory_space<vmem>>, vector<16xf32>,
        %slice3A_954 = vector.extract_strided_slice %get3A_37 {offsets = [15], sizes = [1], strides = [1]} : vector<16xi32> to vector<1xi32>
        %squeeze3A_955 = vector.extract %slice3A_954[0] : i32 from vector<1xi32>
        %mul3A_956 = arith.constant 16 : i32
        %mul3A_957 = arith.muli %scan3A_29, %mul3A_956 : i32
        %add3A_958 = arith.constant 15 : i32
        %add3A_959 = arith.addi %mul3A_957, %add3A_958 : i32
        %jit3A_960 = arith.constant 16 : i32
        %div3A_961 = arith.divsi %squeeze3A_955, %jit3A_960 : i32
        %sign3A_962 = arith.constant 0 : i32
        %sign3A_963 = arith.cmpi sgt, %squeeze3A_955, %sign3A_962 : i32
        %sign3A_964 = arith.extui %sign3A_963 : i1 to i32
        %sign3A_965 = arith.constant 0 : i32
        %sign3A_966 = arith.cmpi slt, %squeeze3A_955, %sign3A_965 : i32
        %sign3A_967 = arith.extui %sign3A_966 : i1 to i32
        %sign3A_968 = arith.subi %sign3A_964, %sign3A_967 : i32
        %sign3A_969 = arith.constant 0 : i32
        %sign3A_970 = arith.cmpi sgt, %jit3A_960, %sign3A_969 : i32
        %sign3A_971 = arith.extui %sign3A_970 : i1 to i32
        %sign3A_972 = arith.constant 0 : i32
        %sign3A_973 = arith.cmpi slt, %jit3A_960, %sign3A_972 : i32
        %sign3A_974 = arith.extui %sign3A_973 : i1 to i32
        %sign3A_975 = arith.subi %sign3A_971, %sign3A_974 : i32
        %ne3A_976 = arith.cmpi ne, %sign3A_968, %sign3A_975 : i32
        %rem3A_977 = arith.remsi %squeeze3A_955, %jit3A_960 : i32
        %ne3A_978 = arith.constant 0 : i32
        %ne3A_979 = arith.cmpi ne, %rem3A_977, %ne3A_978 : i32
        %and3A_980 = arith.andi %ne3A_976, %ne3A_979 : i1
        %sub3A_981 = arith.constant 1 : i32
        %sub3A_982 = arith.subi %div3A_961, %sub3A_981 : i32
        %select_n3A_983 = arith.select %and3A_980, %sub3A_982, %div3A_961 : i32
        %mul3A_984 = arith.constant 16 : i32
        %mul3A_985 = arith.muli %select_n3A_983, %mul3A_984 : i32
        %jit3A_986 = arith.constant 16 : i32
        %eq3A_987 = arith.constant 0 : i32
        %eq3A_988 = arith.cmpi eq, %jit3A_986, %eq3A_987 : i32
        %jit3A_989 = arith.constant 1 : i32
        %select_n3A_990 = arith.select %eq3A_988, %jit3A_989, %jit3A_986 : i32
        %rem3A_991 = arith.remsi %squeeze3A_955, %select_n3A_990 : i32
        %ne3A_992 = arith.constant 0 : i32
        %ne3A_993 = arith.cmpi ne, %rem3A_991, %ne3A_992 : i32
        %lt3A_994 = arith.constant 0 : i32
        %lt3A_995 = arith.cmpi slt, %rem3A_991, %lt3A_994 : i32
        %lt3A_996 = arith.constant 0 : i32
        %lt3A_997 = arith.cmpi slt, %select_n3A_990, %lt3A_996 : i32
        %ne3A_998 = arith.xori %lt3A_995, %lt3A_997 : i1
        %and3A_999 = arith.andi %ne3A_998, %ne3A_993 : i1
        %add3A_1000 = arith.addi %rem3A_991, %select_n3A_990 : i32
        %select_n3A_1001 = arith.select %and3A_999, %add3A_1000, %rem3A_991 : i32
        %eq3A_1002 = vector.broadcast %select_n3A_1001 : i32 to vector<16xi32>
        %eq3A_1003 = arith.cmpi eq, %iota3A, %eq3A_1002 : vector<16xi32>
        %jit3A_1004 = arith.constant 0.000000e+00 : f32
        %broadcast_in_dim3A_1005 = vector.broadcast %scan3A_23 : f32 to vector<16xf32>
        %broadcast_in_dim3A_1006 = vector.broadcast %jit3A_1004 : f32 to vector<16xf32>
        %select_n3A_1007 = arith.select %eq3A_1003, %broadcast_in_dim3A_1005, %broadcast_in_dim3A_1006 : vector<16xi1>, vector<16xf32>
        %mul3A_1008 = arith.constant 1024 : i32
        %mul3A_1009 = arith.muli %add3A_959, %mul3A_1008 : i32
        %add3A_1010 = arith.addi %mul3A_1009, %mul3A_985 : i32
        %multiple_of3A_1011 = tpu.assume_multiple %add3A_1010, 16 : i32
        %swap3A_1012 = arith.index_cast %multiple_of3A_1011 : i32 to index
        %swap3A_1013 = tpu.vector_load %arg5[%swap3A_1012] {strides = array<i32>} : memref<65536xf32, #tpu.memory_space<vmem>>, vector<16xf32>,
        %swap3A_1014 = vector.shape_cast %swap3A_1013 : vector<16xf32> to vector<16xf32>
        %swap3A_1015 = vector.shape_cast %select_n3A_1007 : vector<16xf32> to vector<16xf32>
        tpu.vector_store %arg5[%swap3A_1012], %swap3A_1015 {strides = array<i32>} : memref<65536xf32, #tpu.memory_space<vmem>>, vector<16xf32>,
      }
      %scan3A_28 = arith.constant 4 : i32
    }
    %scan3A_7 = arith.constant 16 : i32
    return
  }
}

module attributes {stable_mosaic.version = 14 : i64} {
  func.func @_vq_kernel(%arg0: i32, %arg1: memref<2048x64xf32, #tpu.memory_space<vmem>>, %arg2: memref<1024x64xf32, #tpu.memory_space<vmem>>, %arg3: memref<2048x64xf32, #tpu.memory_space<vmem>>, %arg4: memref<2048x1xi32, #tpu.memory_space<vmem>>, %arg5: memref<1x1x1024xf32, #tpu.memory_space<vmem>>, %arg6: memref<1x1x1024xf32, #tpu.memory_space<vmem>>) attributes {dimension_semantics = [#tpu.dimension_semantics<parallel>], iteration_bounds = array<i64: 16>, scalar_prefetch = 0 : i64, scratch_operands = 0 : i64, tpu.core_type = #tpu.core_type<tc>, window_params = [{transform_indices = @transform_0, window_bounds = array<i64: 2048, 64>}, {pipeline_mode = #tpu.pipeline_mode<synchronous>, transform_indices = @transform_1, window_bounds = array<i64: 1024, 64>}, {transform_indices = @transform_2, window_bounds = array<i64: 2048, 64>}, {transform_indices = @transform_3, window_bounds = array<i64: 2048, 1>}, {transform_indices = @transform_4, window_bounds = array<i64: 1, 1, 1024>}, {transform_indices = @transform_5, window_bounds = array<i64: 1, 1, 1024>}]} {
    %get3A = arith.constant 0 : index
    %get3A_0 = arith.constant 0 : index
    %get3A_1 = vector.load %arg1[%get3A, %get3A_0] : memref<2048x64xf32, #tpu.memory_space<vmem>>, vector<2048x64xf32>
    %get3A_2 = arith.constant 0 : index
    %get3A_3 = arith.constant 0 : index
    %get3A_4 = vector.load %arg2[%get3A_2, %get3A_3] : memref<1024x64xf32, #tpu.memory_space<vmem>>, vector<1024x64xf32>
    %dot_general3A = arith.constant dense<0.000000e+00> : vector<2048x1024xf32>
    %dot_general3A_5 = tpu.matmul %get3A_1, %get3A_4, %dot_general3A {dimension_numbers = #tpu.dot_dimension_numbers<[1], [1], [0], [0], [0, 0, 1, 0], [], []>, transpose_lhs_hint = false} : vector<2048x64xf32>, vector<1024x64xf32>, vector<2048x1024xf32> -> vector<2048x1024xf32>
    %mul3A = arith.mulf %get3A_1, %get3A_1 : vector<2048x64xf32>
    %reduce_sum3A = arith.constant dense<0.000000e+00> : vector<2048xf32>
    %reduce_sum3A_6 = vector.multi_reduction <add>, %mul3A, %reduce_sum3A [1] : vector<2048x64xf32> to vector<2048xf32>
    %broadcast_in_dim3A = vector.shape_cast %reduce_sum3A_6 : vector<2048xf32> to vector<2048x1xf32>
    %mul3A_7 = arith.mulf %get3A_4, %get3A_4 : vector<1024x64xf32>
    %reduce_sum3A_8 = arith.constant dense<0.000000e+00> : vector<1024xf32>
    %reduce_sum3A_9 = vector.multi_reduction <add>, %mul3A_7, %reduce_sum3A_8 [1] : vector<1024x64xf32> to vector<1024xf32>
    %broadcast_in_dim3A_10 = vector.shape_cast %reduce_sum3A_9 : vector<1024xf32> to vector<1x1024xf32>
    %add3A = vector.broadcast %broadcast_in_dim3A : vector<2048x1xf32> to vector<2048x1024xf32>
    %add3A_11 = vector.broadcast %broadcast_in_dim3A_10 : vector<1x1024xf32> to vector<2048x1024xf32>
    %add3A_12 = arith.addf %add3A, %add3A_11 : vector<2048x1024xf32>
    %mul3A_13 = arith.constant 2.000000e+00 : f32
    %mul3A_14 = vector.broadcast %mul3A_13 : f32 to vector<2048x1024xf32>
    %mul3A_15 = arith.mulf %mul3A_14, %dot_general3A_5 : vector<2048x1024xf32>
    %sub3A = arith.subf %add3A_12, %mul3A_15 : vector<2048x1024xf32>
    %iota3A = tpu.iota {dimensions = array<i32: 1>} : vector<2048x1024xi32>
    %reduce_min3A = arith.constant dense<0x7F800000> : vector<2048xf32>
    %reduce_min3A_16 = vector.multi_reduction <minimumf>, %sub3A, %reduce_min3A [1] : vector<2048x1024xf32> to vector<2048xf32>
    %broadcast_in_dim3A_17 = vector.shape_cast %reduce_min3A_16 : vector<2048xf32> to vector<2048x1xf32>
    %eq3A = vector.broadcast %broadcast_in_dim3A_17 : vector<2048x1xf32> to vector<2048x1024xf32>
    %eq3A_18 = arith.cmpf oeq, %sub3A, %eq3A : vector<2048x1024xf32>
    %jit3A = arith.constant 1024 : i32
    %broadcast_in_dim3A_19 = vector.broadcast %jit3A : i32 to vector<2048x1024xi32>
    %select_n3A = arith.select %eq3A_18, %iota3A, %broadcast_in_dim3A_19 : vector<2048x1024xi1>, vector<2048x1024xi32>
    %reduce_min3A_20 = arith.constant dense<2147483647> : vector<2048xi32>
    %reduce_min3A_21 = vector.multi_reduction <minsi>, %select_n3A, %reduce_min3A_20 [1] : vector<2048x1024xi32> to vector<2048xi32>
    %broadcast_in_dim3A_22 = vector.shape_cast %reduce_min3A_21 : vector<2048xi32> to vector<2048x1xi32>
    %swap3A = arith.constant 0 : index
    %swap3A_23 = arith.constant 0 : index
    %swap3A_24 = vector.load %arg4[%swap3A, %swap3A_23] : memref<2048x1xi32, #tpu.memory_space<vmem>>, vector<2048x1xi32>
    tpu.vector_store %arg4[%swap3A, %swap3A_23], %broadcast_in_dim3A_22 {strides = array<i32>} : memref<2048x1xi32, #tpu.memory_space<vmem>>, vector<2048x1xi32>,
    %broadcast_in_dim3A_25 = vector.shape_cast %reduce_min3A_21 : vector<2048xi32> to vector<2048x1xi32>
    %eq3A_26 = vector.broadcast %broadcast_in_dim3A_25 : vector<2048x1xi32> to vector<2048x1024xi32>
    %eq3A_27 = arith.cmpi eq, %iota3A, %eq3A_26 : vector<2048x1024xi32>
    %convert_element_type3A = arith.extui %eq3A_27 : vector<2048x1024xi1> to vector<2048x1024xi32>
    %convert_element_type3A_28 = arith.sitofp %convert_element_type3A : vector<2048x1024xi32> to vector<2048x1024xf32>
    %dot_general3A_29 = arith.constant dense<0.000000e+00> : vector<2048x64xf32>
    %dot_general3A_30 = tpu.matmul %convert_element_type3A_28, %get3A_4, %dot_general3A_29 {dimension_numbers = #tpu.dot_dimension_numbers<[1], [0], [0], [1], [0, 0, 1, 1], [], []>, transpose_lhs_hint = false} : vector<2048x1024xf32>, vector<1024x64xf32>, vector<2048x64xf32> -> vector<2048x64xf32>
    %swap3A_31 = arith.constant 0 : index
    %swap3A_32 = arith.constant 0 : index
    %swap3A_33 = vector.load %arg3[%swap3A_31, %swap3A_32] : memref<2048x64xf32, #tpu.memory_space<vmem>>, vector<2048x64xf32>
    tpu.vector_store %arg3[%swap3A_31, %swap3A_32], %dot_general3A_30 {strides = array<i32>} : memref<2048x64xf32, #tpu.memory_space<vmem>>, vector<2048x64xf32>,
    %reduce_sum3A_34 = arith.constant dense<0.000000e+00> : vector<1024xf32>
    %reduce_sum3A_35 = vector.multi_reduction <add>, %convert_element_type3A_28, %reduce_sum3A_34 [0] : vector<2048x1024xf32> to vector<1024xf32>
    %swap3A_36 = arith.constant 0 : index
    %swap3A_37 = arith.constant 0 : index
    %swap3A_38 = arith.constant 0 : index
    %swap3A_39 = vector.load %arg5[%swap3A_36, %swap3A_37, %swap3A_38] : memref<1x1x1024xf32, #tpu.memory_space<vmem>>, vector<1x1x1024xf32>
    %swap3A_40 = vector.shape_cast %swap3A_39 : vector<1x1x1024xf32> to vector<1024xf32>
    %swap3A_41 = vector.shape_cast %reduce_sum3A_35 : vector<1024xf32> to vector<1x1x1024xf32>
    tpu.vector_store %arg5[%swap3A_36, %swap3A_37, %swap3A_38], %swap3A_41 {strides = array<i32>} : memref<1x1x1024xf32, #tpu.memory_space<vmem>>, vector<1x1x1024xf32>,
    %reduce_sum3A_42 = arith.constant dense<0.000000e+00> : vector<1xf32>
    %reduce_sum3A_43 = vector.multi_reduction <add>, %broadcast_in_dim3A_17, %reduce_sum3A_42 [0] : vector<2048x1xf32> to vector<1xf32>
    %broadcast_in_dim3A_44 = vector.shape_cast %reduce_sum3A_43 : vector<1xf32> to vector<1xf32>
    %broadcast_in_dim3A_45 = vector.broadcast %broadcast_in_dim3A_44 : vector<1xf32> to vector<1024xf32>
    %swap3A_46 = arith.constant 0 : index
    %swap3A_47 = arith.constant 0 : index
    %swap3A_48 = arith.constant 0 : index
    %swap3A_49 = vector.load %arg6[%swap3A_46, %swap3A_47, %swap3A_48] : memref<1x1x1024xf32, #tpu.memory_space<vmem>>, vector<1x1x1024xf32>
    %swap3A_50 = vector.shape_cast %swap3A_49 : vector<1x1x1024xf32> to vector<1024xf32>
    %swap3A_51 = vector.shape_cast %broadcast_in_dim3A_45 : vector<1024xf32> to vector<1x1x1024xf32>
    tpu.vector_store %arg6[%swap3A_46, %swap3A_47, %swap3A_48], %swap3A_51 {strides = array<i32>} : memref<1x1x1024xf32, #tpu.memory_space<vmem>>, vector<1x1x1024xf32>,
    return
  }
  func.func @transform_0(%arg0: i32) -> (i32, i32) {
    %c0_i32 = arith.constant 0 : i32
    %c0_i32_0 = arith.constant 0 : i32
    return %arg0, %c0_i32 : i32, i32
  }
  func.func @transform_1(%arg0: i32) -> (i32, i32) {
    %c0_i32 = arith.constant 0 : i32
    %c0_i32_0 = arith.constant 0 : i32
    %c0_i32_1 = arith.constant 0 : i32
    return %c0_i32, %c0_i32_0 : i32, i32
  }
  func.func @transform_2(%arg0: i32) -> (i32, i32) {
    %c0_i32 = arith.constant 0 : i32
    %c0_i32_0 = arith.constant 0 : i32
    return %arg0, %c0_i32 : i32, i32
  }
  func.func @transform_3(%arg0: i32) -> (i32, i32) {
    %c0_i32 = arith.constant 0 : i32
    %c0_i32_0 = arith.constant 0 : i32
    return %arg0, %c0_i32 : i32, i32
  }
  func.func @transform_4(%arg0: i32) -> (i32, i32, i32) {
    %c0_i32 = arith.constant 0 : i32
    %c0_i32_0 = arith.constant 0 : i32
    %c0_i32_1 = arith.constant 0 : i32
    return %arg0, %c0_i32, %c0_i32_0 : i32, i32, i32
  }
  func.func @transform_5(%arg0: i32) -> (i32, i32, i32) {
    %c0_i32 = arith.constant 0 : i32
    %c0_i32_0 = arith.constant 0 : i32
    %c0_i32_1 = arith.constant 0 : i32
    return %arg0, %c0_i32, %c0_i32_0 : i32, i32, i32
  }
}

module attributes {stable_mosaic.version = 14 : i64} {
  func.func @_fin_kernel(%arg0: memref<16x1024xf32, #tpu.memory_space<vmem>>, %arg1: memref<16x1024xf32, #tpu.memory_space<vmem>>, %arg2: memref<1x1xf32, #tpu.memory_space<vmem>>, %arg3: memref<1x1xf32, #tpu.memory_space<vmem>>) attributes {dimension_semantics = [], scalar_prefetch = 0 : i64, scratch_operands = 0 : i64, tpu.core_type = #tpu.core_type<tc>} {
    %get3A = arith.constant 0 : index
    %get3A_0 = arith.constant 0 : index
    %get3A_1 = vector.load %arg0[%get3A, %get3A_0] : memref<16x1024xf32, #tpu.memory_space<vmem>>, vector<16x1024xf32>
    %reduce_sum3A = arith.constant dense<0.000000e+00> : vector<1024xf32>
    %reduce_sum3A_2 = vector.multi_reduction <add>, %get3A_1, %reduce_sum3A [0] : vector<16x1024xf32> to vector<1024xf32>
    %broadcast_in_dim3A = vector.shape_cast %reduce_sum3A_2 : vector<1024xf32> to vector<1x1024xf32>
    %mul3A = arith.constant 3.05175781E-5 : f32
    %mul3A_3 = vector.broadcast %mul3A : f32 to vector<1x1024xf32>
    %mul3A_4 = arith.mulf %broadcast_in_dim3A, %mul3A_3 : vector<1x1024xf32>
    %add3A = arith.constant 1.000000e-10 : f32
    %add3A_5 = vector.broadcast %add3A : f32 to vector<1x1024xf32>
    %add3A_6 = arith.addf %mul3A_4, %add3A_5 : vector<1x1024xf32>
    %log3A = math.log %add3A_6 : vector<1x1024xf32>
    %mul3A_7 = arith.mulf %mul3A_4, %log3A : vector<1x1024xf32>
    %reduce_sum3A_8 = vector.shape_cast %mul3A_7 : vector<1x1024xf32> to vector<1x1x1024xf32>
    %reduce_sum3A_9 = arith.constant dense<0.000000e+00> : vector<1xf32>
    %reduce_sum3A_10 = vector.multi_reduction <add>, %reduce_sum3A_8, %reduce_sum3A_9 [1, 2] : vector<1x1x1024xf32> to vector<1xf32>
    %reduce_sum3A_11 = vector.shape_cast %reduce_sum3A_10 : vector<1xf32> to vector<1x1x1xf32>
    %reduce_sum3A_12 = vector.extract %reduce_sum3A_11[0, 0, 0] : f32 from vector<1x1x1xf32>
    %broadcast_in_dim3A_13 = vector.broadcast %reduce_sum3A_12 : f32 to vector<1x1xf32>
    %neg3A = arith.constant 0.000000e+00 : f32
    %neg3A_14 = vector.broadcast %neg3A : f32 to vector<1x1xf32>
    %neg3A_15 = arith.subf %neg3A_14, %broadcast_in_dim3A_13 : vector<1x1xf32>
    %exp3A = math.exp %neg3A_15 : vector<1x1xf32>
    %swap3A = arith.constant 0 : index
    %swap3A_16 = arith.constant 0 : index
    %swap3A_17 = vector.load %arg3[%swap3A, %swap3A_16] : memref<1x1xf32, #tpu.memory_space<vmem>>, vector<1x1xf32>
    tpu.vector_store %arg3[%swap3A, %swap3A_16], %exp3A {strides = array<i32>} : memref<1x1xf32, #tpu.memory_space<vmem>>, vector<1x1xf32>,
    %get3A_18 = arith.constant 0 : index
    %get3A_19 = arith.constant 0 : index
    %get3A_20 = vector.load %arg1[%get3A_18, %get3A_19] : memref<16x1024xf32, #tpu.memory_space<vmem>>, vector<16x1024xf32>
    %slice3A = vector.extract_strided_slice %get3A_20 {offsets = [0, 0], sizes = [16, 1], strides = [1, 1]} : vector<16x1024xf32> to vector<16x1xf32>
    %reduce_sum3A_21 = vector.shape_cast %slice3A : vector<16x1xf32> to vector<1x16x1xf32>
    %reduce_sum3A_22 = arith.constant dense<0.000000e+00> : vector<1xf32>
    %reduce_sum3A_23 = vector.multi_reduction <add>, %reduce_sum3A_21, %reduce_sum3A_22 [1, 2] : vector<1x16x1xf32> to vector<1xf32>
    %reduce_sum3A_24 = vector.shape_cast %reduce_sum3A_23 : vector<1xf32> to vector<1x1x1xf32>
    %reduce_sum3A_25 = vector.extract %reduce_sum3A_24[0, 0, 0] : f32 from vector<1x1x1xf32>
    %broadcast_in_dim3A_26 = vector.broadcast %reduce_sum3A_25 : f32 to vector<1x1xf32>
    %mul3A_27 = arith.constant 1.1920929E-7 : f32
    %mul3A_28 = vector.broadcast %mul3A_27 : f32 to vector<1x1xf32>
    %mul3A_29 = arith.mulf %broadcast_in_dim3A_26, %mul3A_28 : vector<1x1xf32>
    %swap3A_30 = arith.constant 0 : index
    %swap3A_31 = arith.constant 0 : index
    %swap3A_32 = vector.load %arg2[%swap3A_30, %swap3A_31] : memref<1x1xf32, #tpu.memory_space<vmem>>, vector<1x1xf32>
    tpu.vector_store %arg2[%swap3A_30, %swap3A_31], %mul3A_29 {strides = array<i32>} : memref<1x1xf32, #tpu.memory_space<vmem>>, vector<1x1xf32>,
    return
  }
}

</mosaic_0001>

<sc_bundles>
// kernel: kernel.5.cloned.1.call-start
scs
__scs_entry_jumppad:
0x0: {  	(pc) =	sbr.rel $0x88, $3  }
0x1: {  	(tag) =	ssettag $0x0;
	lr =	simm.s32 $0x1  }
0x2: {  	[smem:$0x3F9F] =	sst lr;
	_ =	strace $0xD0000000  }
0x3: {  	_ = 	snop  }
0x4: {  	_ = 	snop  }
0x5: {  	_ = 	snop  }
0x6: {  	_ = 	snop  }
0x7: {  	_ = 	snop  }
__scs_overlays_trampoline_lowered:
0x8: {  	[smem:$0x3FAE] =	sst s0  }
0x9: {  	[smem:$0x3FAF] =	sst s1  }
0xa: {  	[smem:$0x3FB0] =	sst s2  }
0xb: {  	[smem:$0x3FB1] =	sst s3  }
0xc: {  	[smem:$0x3FB2] =	sst s4  }
0xd: {  	[smem:$0x3FB3] =	sst s5  }
0xe: {  	[smem:$0x3FB4] =	sst s6  }
0xf: {  	[smem:$0x3FB5] =	sst s7  }
0x10: {  	[smem:$0x3FB6] =	sst s8  }
0x11: {  	[smem:$0x3FB7] =	sst s9;
	s0 =	simm.s32 @!p0 $0x0  }
0x12: {  	s1 =	sld [smem:$0x3F9D];
	s0 =	simm.s32 @p0 $0x1  }
0x13: {  	[smem:$0x3FB8] =	sst s0;
	s0 =	simm.s32 @!p1 $0x0  }
0x14: {  	s2 =	sld [smem:$0x3F9C];
	s0 =	simm.s32 @p1 $0x1  }
0x15: {  	[smem:$0x3FB9] =	sst s0;
	s0 =	simm.s32 @!p2 $0x0  }
0x16: {  	s3 =	sld [smem:$0x3FDB];
	s0 =	simm.s32 @p2 $0x1  }
0x17: {  	s4 =	simm.s32 $0x1BF5;
	[smem:$0x3FBB] =	sst s0  }
0x18: {  	s0 =	sld [smem:$0x3F9E];
	_ =	swait.ge [sflag:s4], $0x0  }
0x19: {  	s7 =	sld [smem:$0x3F9F]  }
0x1a: {  	s8 =	sadd.s32 $0xFFFFE003, lr  }
0x1b: {  	s9 =	sadd.s32 $0xFFFFFEF7, lr;
	s5 =	simm.s32 $0xFFFFFFFF;
	p2 =	slt.u32 s8, $0xFFFFF086  }
0x1c: {  	p1 =	slt.u32 s9, $0xF7A;
	s5 =	simm.s32 @!p2 $0x0  }
0x1d: {  	s5 =	simm.s32 @p1 $0x1;
	p0 =	seq.s32 s7, s2  }
0x1e: {  	s7 =	smul.u32 @!p0 $0xF7A, s2;
	p2 =	seq.s32 @!p0 s5, $0x0  }
0x1f: {  	s9 =	smul.u32 $0xF7A, s1;
	s8 =	simm.s32 @!p0 $0x1BF5;
	p2 =	por !p2, p0  }
0x20: {  	[sflag:s8] =	ssyncset.s32 @!p0 $0xFFFFF086;
	s6 =	sadd.s32 @!p0 s3, s7;
	s7 =	simm.s32 @!p0 $0x108  }
0x21: {  	s3 =	sadd.s32 s3, s9;
	s6 =	sadd.s32 @!p0 $0x88, s6;
	s7 =	simm.s32 @p2 $0x1082  }
0x22: {  	[simem:s7], [sflag:s8] =	dma.local @!p0 [hbm:s6], $0xF7A  }
0x23: {  	s9 =	sor.u32 $0xD0000000, s2;
	s6 =	simm.s32 $0x108;
	_ =	swait.ge @!p0 [sflag:s8], $0x0  }
0x24: {  	s3 =	sadd.s32 $0x88, s3;
	s6 =	simm.s32 @!p1 $0x1082;
	[sflag:s4] =	ssyncset.s32 $0xFFFFF086  }
0x25: {  	[simem:s6], [sflag:s4] =	dma.local [hbm:s3], $0xF7A  }
0x26: {  	[smem:$0x3F9F] =	sst s1;
	(tag) =	ssettag s2;
	_ =	strace s9  }
0x27: {  	s1 =	sld [smem:$0x3FAF]  }
0x28: {  	s2 =	sld [smem:$0x3FB0]  }
0x29: {  	s4 =	sld [smem:$0x3FB2]  }
0x2a: {  	p0 =	seq.s32 s5, $0x0;
	s5 =	sld [smem:$0x3FB3]  }
0x2b: {  	s6 =	sld [smem:$0x3FB4]  }
0x2c: {  	s7 =	sld [smem:$0x3FB5]  }
0x2d: {  	s3 =	simm.s32 $0x108;
	s8 =	sld [smem:$0x3FB6]  }
0x2e: {  	s3 =	simm.s32 @!p0 $0x1082;
	s9 =	sld [smem:$0x3FB7]  }
0x2f: {  	lr =	sadd.s32 s0, s3;
	s0 =	sld [smem:$0x3FAE]  }
0x30: {  	s3 =	sld [smem:$0x3FB1]  }
0x31: {  	[smem:$0x3FBA] =	sst s10  }
0x32: {  	s10 =	sld [smem:$0x3FB8];
	_ =	sdelay $0x3  }
0x33: {  	p0 =	seq.s32 s10, $0x1;
	s10 =	sld [smem:$0x3FBA];
	_ =	sdelay $0x3  }
0x34: {  	[smem:$0x3FBA] =	sst s10  }
0x35: {  	s10 =	sld [smem:$0x3FB9];
	_ =	sdelay $0x3  }
0x36: {  	p1 =	seq.s32 s10, $0x1;
	s10 =	sld [smem:$0x3FBA];
	_ =	sdelay $0x3  }
0x37: {  	[smem:$0x3FBA] =	sst s10  }
0x38: {  	s10 =	sld [smem:$0x3FBB]  }
0x39: {  	_ = 	snop;
	(pc) =	sbr.ind lr, $3  }
0x3a: {  	_ = 	snop  }
0x3b: {  	_ = 	snop  }
0x3c: {  	p2 =	seq.s32 s10, $0x1;
	s10 =	sld [smem:$0x3FBA]  }
0x3d: {  	_ =	shalt  }
0x3e: {  	_ =	shalt  }
0x3f: {  	_ =	shalt  }
0x40: {  	_ =	shalt  }
0x41: {  	_ =	shalt  }
0x42: {  	_ =	shalt  }
0x43: {  	_ =	shalt  }
0x44: {  	_ =	shalt  }
0x45: {  	_ =	shalt  }
0x46: {  	_ =	shalt  }
0x47: {  	_ =	shalt  }
0x48: {  	_ =	shalt  }
0x49: {  	_ =	shalt  }
0x4a: {  	_ =	shalt  }
0x4b: {  	_ =	shalt  }
0x4c: {  	_ =	shalt  }
0x4d: {  	_ =	shalt  }
0x4e: {  	_ =	shalt  }
0x4f: {  	_ =	shalt  }
0x50: {  	_ =	shalt  }
0x51: {  	_ =	shalt  }
0x52: {  	_ =	shalt  }
0x53: {  	_ =	shalt  }
0x54: {  	_ =	shalt  }
0x55: {  	_ =	shalt  }
0x56: {  	_ =	shalt  }
0x57: {  	_ =	shalt  }
0x58: {  	_ =	shalt  }
0x59: {  	_ =	shalt  }
0x5a: {  	_ =	shalt  }
0x5b: {  	_ =	shalt  }
0x5c: {  	_ =	shalt  }
0x5d: {  	_ =	shalt  }
0x5e: {  	_ =	shalt  }
0x5f: {  	_ =	shalt  }
0x60: {  	_ =	shalt  }
0x61: {  	_ =	shalt  }
0x62: {  	_ =	shalt  }
0x63: {  	_ =	shalt  }
0x64: {  	_ =	shalt  }
0x65: {  	_ =	shalt  }
0x66: {  	_ =	shalt  }
0x67: {  	_ =	shalt  }
0x68: {  	_ =	shalt  }
0x69: {  	_ =	shalt  }
0x6a: {  	_ =	shalt  }
0x6b: {  	_ =	shalt  }
0x6c: {  	_ =	shalt  }
0x6d: {  	_ =	shalt  }
0x6e: {  	_ =	shalt  }
0x6f: {  	_ =	shalt  }
0x70: {  	_ =	shalt  }
0x71: {  	_ =	shalt  }
0x72: {  	_ =	shalt  }
0x73: {  	_ =	shalt  }
0x74: {  	_ =	shalt  }
0x75: {  	_ =	shalt  }
0x76: {  	_ =	shalt  }
0x77: {  	_ =	shalt  }
0x78: {  	_ =	shalt  }
0x79: {  	_ =	shalt  }
0x7a: {  	_ =	shalt  }
0x7b: {  	_ =	shalt  }
0x7c: {  	_ =	shalt  }
0x7d: {  	_ =	shalt  }
0x7e: {  	_ =	shalt  }
0x7f: {  	_ =	shalt  }
0x80: {  	_ =	shalt  }
0x81: {  	_ =	shalt  }
0x82: {  	_ =	shalt  }
0x83: {  	_ =	shalt  }
0x84: {  	_ =	shalt  }
0x85: {  	_ =	shalt  }
0x86: {  	_ =	shalt  }
0x87: {  	_ =	shalt  }
.Lfunc_end0:
.L_simem_size_0:
called_computation_lowered:
.L_overlay_start_0:
0x88: {  	s2 =	sld [smem:$0x3FD9]  }
0x89: {  	s3 =	sld [smem:$0x3FFE];
	_ =	sdelay $0x1  }
0x8a: {  	s1 =	srdreg.scid  }
0x8b: {  	s0 =	sand.u32 $0x1, s1  }
0x8c: {  	s14 =	sshll.u32 s0, $0xA;
	s2 =	sadd.s32 s3, s2  }
0x8d: {  	s2 =	sadd.s32 s2, s14  }
0x8e: {  	[smem:$0x3FC6] =	sst s2  }
0x8f: {  	_ = 	snop  }
0x90: {  	s2 =	sld [smem:$0x3FD0];
	_ =	sdelay $0x2  }
0x91: {  	s15 =	simm.s32 $0xA;
	s4 =	simm.s32 $0x10  }
0x92: {  	[smem:s4], [sflag:s15] =	dma.local [hbm:s2], $0x1  }
0x93: {  	_ =	swait.eq [sflag:s15], $0x1  }
0x94: {  	[sflag:s15] =	ssyncset.done $0x0  }
0x95: {  	s16 =	sld [smem:$0x13];
	[sflag:s15] =	ssyncadd.s32 $0xFFFFFFFF  }
0x96: {  	s17 =	sld [smem:$0x14];
	(tm) =	ssettm $0x1  }
0x97: {  	s18 =	sld [smem:$0x3FFB];
	_ =	sdelay $0x3  }
0x98: {  	_ =	strace s18  }
0x99: {  	s4 =	sld [smem:$0x3FFC];
	_ =	sdelay $0x3  }
0x9a: {  	_ =	strace s4  }
0x9b: {  	s4 =	sld [smem:$0x3FFD];
	_ =	sdelay $0x3  }
0x9c: {  	_ =	strace s4  }
0x9d: {  	_ =	strace $0x8FFFFFFF  }
0x9e: {  	s19 =	sld [smem:$0x3FDB];
	_ =	sdelay $0x1  }
0x9f: {  	s5 =	simm.s32 $_scs_section_size  }
0xa0: {  	s6 =	simm.s32 $_size__tile_overlayer_lowered;
	s7 =	simm.s32 $_tile_overlayer_lowered  }
0xa1: {  	s22 =	simm.s32 $0x1BFF;
	s21 =	sshll.u32 s7, $0x1;
	s4 =	sadd.s32 s5, s19  }
0xa2: {  	s8 =	simm.s32 $0x0;
	s20 =	sshll.u32 s6, $0x1;
	s6 =	sadd.s32 s21, s4  }
0xa3: {  	[timem:s8], [sflag:s22] =	dma.local [hbm:s6], s20  }
0xa4: {  	_ =	swait.ge [sflag:s22], s20  }
0xa5: {  	s5 =	ssub.s32 $0x0, s20;
	[sflag:s22] =	ssyncset.done $0x0  }
0xa6: {  	[sflag:s22] =	ssyncadd.s32 s5;
	_ =	sdelay $0x1  }
0xa7: {  	s23 =	simm.s32 $0x1B8B  }
0xa8: {  	_ =	swait.ge [sflag:s23], $0x1  }
0xa9: {  	[sflag:s23] =	ssyncset.done $0x0  }
0xaa: {  	s25 =	simm.s32 $0x1B8E;
	s24 =	sld [smem:$0x3FFE];
	[sflag:s23] =	ssyncadd.s32 $0xFFFFFFFF  }
0xab: {  	s26 =	simm.s32 $execute0_lowered;
	[smem:$0x3FD2] =	sst s25  }
0xac: {  	s6 =	sshll.u32 s26, $0x1;
	_ =	strace $0x80000046;
	[dreg:$0x1] =	wrdreg $0xFFFFFFFF  }
0xad: {  	s28 =	simm.s32 $_size_execute0_lowered;
	s4 =	sadd.s32 s4, s6;
	[dreg:$0x0] =	wrdreg $0x0  }
0xae: {  	s6 =	sshll.u32 s28, $0x1;
	[dreg:$0x2] =	wrdreg s4  }
0xaf: {  	[dreg:$0x3] =	wrdreg s6  }
0xb0: {  	[dreg:$0x4] =	wrdreg $0xC0  }
0xb1: {  	_ =	task [dreg:s8], $0x5FFFF  }
0xb2: {  	[dreg:$0x1] =	wrdreg $0xFFFFFFFF  }
0xb3: {  	[dreg:$0x0] =	wrdreg $0x60  }
0xb4: {  	[dreg:$0x2] =	wrdreg s16  }
0xb5: {  	[dreg:$0x3] =	wrdreg s17  }
0xb6: {  	[dreg:$0x4] =	wrdreg s24  }
0xb7: {  	[dreg:$0x5] =	wrdreg $0x9  }
0xb8: {  	_ =	task.clear_ibuf [dreg:s8], $0x6FFFF;
	_ =	strace $0x90000046  }
0xb9: {  	s29 =	simm.s32 $0x9;
	_ =	strace $0x80000048  }
0xba: {  	_ =	swait.ge [sflag:s29], $0x1  }
0xbb: {  	[sflag:s29] =	ssyncadd.s32 $0xFFFFFFFF  }
0xbc: {  	_ =	strace $0x90000048  }
0xbd: {  	_ =	sfence  }
0xbe: {  	s30 =	sld [smem:$0x0];
	_ =	sdelay $0x2  }
0xbf: {  	s31 =	sshll.u32 s1, $0xD;
	s1 =	sshrl.u32 s1, $0x2  }
0xc0: {  	s3 =	sand.u32 $0x4000, s31;
	s1 =	sadd.s32 s1, s30  }
0xc1: {  	s0 =	sor.u32 s3, s0;
	s1 =	sshll.u32 s1, $0x11  }
0xc2: {  	s0 =	sor.u32 s1, s0  }
0xc3: {  	s0 =	sadd.s32 $0x8F2B, s0  }
0xc4: {  	[sflag:s0] =	ssyncadd.remote.s32 $0x1  }
0xc5: {  	_ =	sfence.sel $0xFFFF  }
0xc6: {  	[dreg:$0x0] =	wrdreg $0xFFFFFFFF;
	(pc) =	sbr.abs _section_cstart, $3  }
0xc7: {  	[dreg:$0x1] =	wrdreg $0xFFFFFFFF  }
0xc8: {  	_ =	task.clear_ibuf [dreg:s8], $0x2FFFF;
	_ =	strace $0x9FFFFFFF  }
0xc9: {  	(tm) =	ssettm $0x7FFFFFFF  }
tec
execute0_lowered:
.L_overlay_start_1:
0x0: {  	(tag) =	ssettag $0x1  }
0x1: {  	s0 =	rddreg [dreg:$0x1]  }
0x2: {  	s1 =	rddreg [dreg:$0x2]  }
0x3: {  	s2 =	srdreg.scid;
	s4 =	stileid.u32  }
0x4: {  	s5 =	simm.s32 $0x0;
	s2 =	sand.u32 $0x1, s2;
	s4 =	sshll.u32 s4, $0xA  }
0x5: {  	[smem:$0x7FF] =	sst s5;
	s1 =	sadd.s32 $0x1A00, s1;
	s3 =	sshll.u32 s2, $0xE  }
0x6: {  	s2 =	ssub.s32 $0x2, s2;
	_ =	strace $0x80000047;
	s4 =	sor.u32 s4, s3  }
0x7: {  	s29 =	sshrl.u32 s2, $0x1;
	[dreg:$0x4] =	wrdreg s4;
	s4 =	sshrl.u32 s4, $0x3  }
0x8: {  	[dreg:$0x5] =	wrdreg s1;
	s30 =	ssub.s32 s2, s29;
	s0 =	sadd.s32 s0, s4  }
0x9: {  	s31 =	smax.u32 s30, $0x1;
	[dreg:$0x6] =	wrdreg s0  }
0xa: {  	v0 =	vlaneseq.u32;
	v1 =	vimm.f32 $0.0e+00;
	s1 =	simm.s32 $0x0;
	[dreg:$0x7] =	wrdreg s31  }
.LBB2_1:
0xb: {  	[dreg:$0x8] =	wrdreg s1  }
0xc: {  	s0 =	rddreg [dreg:$0x0];
	s30 =	simm.s32 $0x0;
	s2 =	simm.s32 $0x1  }
0xd: {  	[tilespmem:s30], [sflag:$0x1] =	stream.linear.gather [hbm4b:s0+s30], $0x10000, $0x38;
	[tilespmem:$0x10400] =	vst v63  }
0xe: {  	_ =	swait.ge [sflag:s2], $0x10000  }
0xf: {  	[sflag:s2] =	ssyncset.done $0x0  }
0x10: {  	s19 =	simm.s32 $0x10000;
	s31 =	rddreg [dreg:$0x6];
	[sflag:s2] =	ssyncadd.s32 $0xFFFF0000  }
0x11: {  	[tilespmem:s19], [sflag:$0x1] =	stream.linear.gather [hbm4b:s31+s30], $0x400, $0x38;
	[tilespmem:$0x10400] =	vst v63  }
0x12: {  	_ =	swait.ge [sflag:s2], $0x400  }
0x13: {  	[sflag:s2] =	ssyncset.done $0x0  }
0x14: {  	s20 =	simm.s32 $0x0;
	[sflag:s2] =	ssyncadd.s32 $0xFFFFFC00  }
.LBB2_2:
0x15: {  	[dreg:$0xa] =	wrdreg s20  }
0x16: {  	s12 =	simm.s32 $0x3C00;
	[dreg:$0x9] =	wrdreg s19;
	s13 =	smov.u32 s19  }
.LBB2_3:
0x17: {  	v2 =	vld [tilespmem:s13+$0x0];
	_ =	sdelay $0x4  }
0x18: {  	(v2sf) =	vpush v2, $0x0  }
0x19: {  	(v2sf) =	vpush v2, $0x1;
	_ =	sdelay $0x1  }
0x1a: {  	(v2sf) =	vpush v2, $0x2  }
0x1b: {  	(v2sf) =	vpush v2, $0x3;
	_ =	sdelay $0x1  }
0x1c: {  	(v2sf) =	vpush v2, $0x4;
	_ =	sdelay $0x8  }
0x1d: {  	s14 =	spop (v2sf)  }
0x1e: {  	s0 =	sshra.s32 s14, $0x1F;
	s15 =	spop (v2sf)  }
0x1f: {  	p0 =	slt.s32 s14, $0x1;
	s0 =	sshrl.u32 s0, $0x1C;
	s2 =	sshra.s32 s15, $0x1F  }
0x20: {  	(v2sf) =	vpush v2, $0x5;
	s16 =	spop (v2sf);
	s0 =	sadd.s32 s0, s14;
	s2 =	sshrl.u32 s2, $0x1C  }
0x21: {  	s17 =	spop (v2sf);
	s4 =	sshra.s32 s16, $0x1F;
	p3 =	slt.s32 s16, $0x1  }
0x22: {  	(v2sf) =	vpush v2, $0x6;
	s1 =	sand.u32 $0xFFFFFFF0, s0;
	s0 =	sshrl.u32 s0, $0x4;
	s25 =	sadd.s32 s2, s15  }
0x23: {  	s4 =	sshrl.u32 s4, $0x1C;
	s19 =	spop (v2sf);
	s31 =	sshra.s32 s17, $0x1F  }
0x24: {  	p5 =	slt.s32 s17, $0x1;
	p1 =	sne.s32 s14, s1;
	s1 =	simm.s32 $0x1  }
0x25: {  	s2 =	sand.u32 $0xFFFFFFF0, s25;
	s28 =	sadd.s32 s4, s16;
	p0 =	por !p0, !p1  }
0x26: {  	s7 =	sshra.s32 s19, $0x1F;
	p1 =	slt.s32 s15, $0x1;
	p0 =	por !p0, !p0  }
0x27: {  	p2 =	sne.s32 s15, s2;
	s4 =	sand.u32 $0xFFFFFFF0, s28;
	s1 =	simm.s32 @!p0 $0x0  }
0x28: {  	s30 =	sshrl.u32 s28, $0x4;
	p4 =	sne.s32 s16, s4;
	s0 =	ssub.s32 s0, s1  }
0x29: {  	s4 =	sshrl.u32 s31, $0x1C;
	p0 =	por !p1, !p2;
	s0 =	sshll.u32 s0, $0x4  }
0x2a: {  	p1 =	slt.s32 s19, $0x1;
	s1 =	sshrl.u32 s25, $0x4;
	s3 =	sadd.s32 s0, s12  }
0x2b: {  	p0 =	por !p0, !p0;
	s26 =	sadd.s32 $0xFFFFC400, s3;
	s3 =	simm.s32 $0x1  }
0x2c: {  	s0 =	sand.u32 $0x70, s0;
	s3 =	simm.s32 @!p0 $0x0;
	s2 =	sand.u32 $0xFFFFFF80, s26  }
0x2d: {  	p0 =	por !p3, !p4;
	s1 =	ssub.s32 s1, s3;
	s0 =	sor.u32 s0, s2  }
0x2e: {  	p0 =	por !p0, !p0;
	s3 =	simm.s32 $0x1;
	s1 =	sshll.u32 s1, $0x4  }
0x2f: {  	[dreg:$0xb] =	wrdreg s0;
	s3 =	simm.s32 @!p0 $0x0;
	s22 =	spop (v2sf)  }
0x30: {  	s5 =	sadd.s32 s1, s12;
	s2 =	ssub.s32 s30, s3;
	s1 =	sand.u32 $0x70, s1  }
0x31: {  	s3 =	sadd.s32 s4, s17;
	s4 =	simm.s32 $0x1;
	s24 =	spop (v2sf)  }
0x32: {  	(v2sf) =	vpush v2, $0x7;
	s11 =	sshra.s32 s22, $0x1F;
	p3 =	slt.s32 s22, $0x1;
	s29 =	sadd.s32 $0xFFFFC800, s5  }
0x33: {  	s2 =	sshll.u32 s2, $0x4;
	s6 =	sand.u32 $0xFFFFFFF0, s3;
	s3 =	sshrl.u32 s3, $0x4  }
0x34: {  	s26 =	sshra.s32 s24, $0x1F;
	s0 =	sand.u32 $0xFFFFFF80, s29;
	s5 =	sadd.s32 s2, s12  }
0x35: {  	p6 =	sne.s32 s17, s6;
	s2 =	sand.u32 $0x70, s2;
	s0 =	sor.u32 s1, s0  }
0x36: {  	(v2sf) =	vpush v2, $0x8;
	p0 =	por !p5, !p6;
	s1 =	sshrl.u32 s7, $0x1C;
	p5 =	slt.s32 s24, $0x1  }
0x37: {  	[dreg:$0xc] =	wrdreg s0;
	s0 =	sadd.s32 $0xFFFFCC00, s5;
	p0 =	por !p0, !p0  }
0x38: {  	s1 =	sadd.s32 s1, s19;
	s5 =	simm.s32 $0x1;
	s0 =	sand.u32 $0xFFFFFF80, s0  }
0x39: {  	s4 =	simm.s32 @!p0 $0x0;
	s8 =	sand.u32 $0xFFFFFFF0, s1;
	s1 =	sshrl.u32 s1, $0x4  }
0x3a: {  	s3 =	ssub.s32 s3, s4;
	p2 =	sne.s32 s19, s8;
	s21 =	sor.u32 s2, s0  }
0x3b: {  	s4 =	simm.s32 $0x1;
	s9 =	sshll.u32 s3, $0x4;
	p0 =	por !p1, !p2  }
0x3c: {  	s3 =	simm.s32 $0x1;
	s10 =	sadd.s32 s9, s12;
	p0 =	por !p0, !p0  }
0x3d: {  	s0 =	sand.u32 $0x70, s9;
	s2 =	sadd.s32 $0xFFFFD000, s10;
	s3 =	simm.s32 @!p0 $0x0  }
0x3e: {  	s2 =	sand.u32 $0xFFFFFF80, s2;
	s1 =	ssub.s32 s1, s3;
	s3 =	sshrl.u32 s11, $0x1C  }
0x3f: {  	s1 =	sshll.u32 s1, $0x4;
	s3 =	sadd.s32 s3, s22;
	s23 =	sor.u32 s0, s2  }
0x40: {  	s2 =	sshrl.u32 s26, $0x1C;
	s18 =	sadd.s32 s1, s12;
	s25 =	sand.u32 $0xFFFFFFF0, s3  }
0x41: {  	s2 =	sadd.s32 s2, s24;
	s3 =	sshrl.u32 s3, $0x4;
	s28 =	spop (v2sf);
	(v2sf) =	vpush v2, $0x9  }
0x42: {  	s1 =	sand.u32 $0x70, s1;
	s20 =	sadd.s32 $0xFFFFD400, s18;
	p4 =	sne.s32 s22, s25  }
0x43: {  	s29 =	sand.u32 $0xFFFFFFF0, s2;
	s2 =	sshrl.u32 s2, $0x4;
	p0 =	por !p3, !p4  }
0x44: {  	s0 =	sand.u32 $0xFFFFFF80, s20;
	p6 =	sne.s32 s24, s29;
	p0 =	por !p0, !p0  }
0x45: {  	s31 =	spop (v2sf);
	s25 =	sor.u32 s1, s0;
	s4 =	simm.s32 @!p0 $0x0  }
0x46: {  	p1 =	slt.s32 s28, $0x1;
	p0 =	por !p5, !p6;
	s3 =	ssub.s32 s3, s4  }
0x47: {  	(v2sf) =	vpush v2, $0xA;
	s9 =	sshra.s32 s31, $0x1F;
	p0 =	por !p0, !p0;
	s3 =	sshll.u32 s3, $0x4  }
0x48: {  	p3 =	slt.s32 s31, $0x1;
	s5 =	simm.s32 @!p0 $0x0;
	s30 =	sadd.s32 s3, s12  }
0x49: {  	s4 =	ssub.s32 s2, s5;
	s5 =	sshra.s32 s28, $0x1F;
	s3 =	sand.u32 $0x70, s3  }
0x4a: {  	s1 =	sadd.s32 $0xFFFFD800, s30;
	s2 =	sshll.u32 s4, $0x4;
	s4 =	sshrl.u32 s9, $0x1C  }
0x4b: {  	s0 =	sand.u32 $0xFFFFFF80, s1;
	s6 =	sadd.s32 s2, s12;
	s1 =	sshrl.u32 s5, $0x1C  }
0x4c: {  	s2 =	sand.u32 $0x70, s2;
	s5 =	simm.s32 $0x1;
	s8 =	sadd.s32 s1, s28  }
0x4d: {  	s4 =	sadd.s32 s4, s31;
	s26 =	sor.u32 s3, s0;
	s1 =	sand.u32 $0xFFFFFFF0, s8  }
0x4e: {  	s7 =	sadd.s32 $0xFFFFDC00, s6;
	s6 =	sand.u32 $0xFFFFFFF0, s4;
	p2 =	sne.s32 s28, s1  }
0x4f: {  	s4 =	sshrl.u32 s4, $0x4;
	s0 =	sand.u32 $0xFFFFFF80, s7;
	p0 =	por !p1, !p2  }
0x50: {  	s3 =	sshrl.u32 s8, $0x4;
	p0 =	por !p0, !p0;
	s1 =	spop (v2sf);
	(v2sf) =	vpush v2, $0xB  }
0x51: {  	p4 =	sne.s32 s31, s6;
	s6 =	simm.s32 $0x1;
	s5 =	simm.s32 @!p0 $0x0  }
0x52: {  	s29 =	sor.u32 s2, s0;
	p0 =	por !p3, !p4;
	s3 =	ssub.s32 s3, s5  }
0x53: {  	p0 =	por !p0, !p0;
	s10 =	sshll.u32 s3, $0x4;
	s3 =	simm.s32 $0x1  }
0x54: {  	s11 =	sadd.s32 s10, s12;
	s3 =	simm.s32 @!p0 $0x0;
	s18 =	sshra.s32 s1, $0x1F  }
0x55: {  	s0 =	sand.u32 $0x70, s10;
	s2 =	sadd.s32 $0xFFFFE000, s11;
	s3 =	ssub.s32 s4, s3  }
0x56: {  	s4 =	sshrl.u32 s18, $0x1C;
	s20 =	sshll.u32 s3, $0x4;
	s3 =	spop (v2sf);
	(v2sf) =	vpush v2, $0xC  }
0x57: {  	p5 =	slt.s32 s1, $0x1;
	s2 =	sand.u32 $0xFFFFFF80, s2;
	s4 =	sadd.s32 s4, s1  }
0x58: {  	s8 =	sadd.s32 s20, s12;
	s30 =	sor.u32 s0, s2;
	s10 =	sand.u32 $0xFFFFFFF0, s4  }
0x59: {  	s11 =	sshrl.u32 s4, $0x4;
	s18 =	sshra.s32 s3, $0x1F;
	s5 =	sand.u32 $0x70, s20  }
0x5a: {  	p1 =	slt.s32 s3, $0x1;
	p6 =	sne.s32 s1, s10;
	s4 =	sshrl.u32 s18, $0x1C  }
0x5b: {  	s9 =	sadd.s32 $0xFFFFE400, s8;
	p0 =	por !p5, !p6;
	s4 =	sadd.s32 s4, s3  }
0x5c: {  	s0 =	sand.u32 $0xFFFFFF80, s9;
	p0 =	por !p0, !p0;
	s20 =	sand.u32 $0xFFFFFFF0, s4  }
0x5d: {  	s4 =	sshrl.u32 s4, $0x4;
	s6 =	simm.s32 @!p0 $0x0;
	p2 =	sne.s32 s3, s20  }
0x5e: {  	s2 =	ssub.s32 s11, s6;
	p0 =	por !p1, !p2;
	s6 =	simm.s32 $0x1  }
0x5f: {  	s2 =	sshll.u32 s2, $0x4;
	p0 =	por !p0, !p0;
	s7 =	spop (v2sf);
	(v2sf) =	vpush v2, $0xD  }
0x60: {  	s20 =	sor.u32 s5, s0;
	s8 =	sadd.s32 s2, s12;
	s6 =	simm.s32 @!p0 $0x0  }
0x61: {  	s3 =	sand.u32 $0xF, s3;
	s5 =	sadd.s32 $0xFFFFE800, s8;
	s4 =	ssub.s32 s4, s6  }
0x62: {  	s2 =	sand.u32 $0x70, s2;
	s5 =	sand.u32 $0xFFFFFF80, s5;
	s4 =	sshll.u32 s4, $0x4  }
0x63: {  	s18 =	sor.u32 s2, s5;
	s10 =	sadd.s32 s4, s12;
	s8 =	sshra.s32 s7, $0x1F  }
0x64: {  	s4 =	sand.u32 $0x70, s4;
	s5 =	sadd.s32 $0xFFFFEC00, s10;
	s9 =	sshrl.u32 s8, $0x1C  }
0x65: {  	s5 =	sand.u32 $0xFFFFFF80, s5;
	s6 =	sadd.s32 s9, s7;
	s9 =	spop (v2sf)  }
0x66: {  	p4 =	slt.s32 s7, $0x1;
	s11 =	sand.u32 $0xFFFFFFF0, s6;
	s0 =	sshra.s32 s9, $0x1F  }
0x67: {  	(v2sf) =	vpush v2, $0xE;
	s10 =	sshrl.u32 s6, $0x4;
	p3 =	sne.s32 s7, s11;
	s8 =	sshrl.u32 s0, $0x1C  }
0x68: {  	s6 =	sor.u32 s4, s5;
	p0 =	por !p4, !p3;
	s11 =	sadd.s32 s8, s9  }
0x69: {  	s8 =	simm.s32 $0x1;
	p0 =	por !p0, !p0;
	s2 =	sand.u32 $0xFFFFFFF0, s11  }
0x6a: {  	p6 =	slt.s32 s9, $0x1;
	s8 =	simm.s32 @!p0 $0x0;
	p5 =	sne.s32 s9, s2  }
0x6b: {  	s7 =	sand.u32 $0xF, s7;
	s10 =	ssub.s32 s10, s8;
	p0 =	por !p6, !p5  }
0x6c: {  	s0 =	sshll.u32 s10, $0x4;
	p0 =	por !p0, !p0;
	s10 =	simm.s32 $0x1  }
0x6d: {  	s4 =	sshrl.u32 s11, $0x4;
	s9 =	sand.u32 $0xF, s9;
	s10 =	simm.s32 @!p0 $0x0  }
0x6e: {  	s2 =	sadd.s32 s0, s12;
	s0 =	sand.u32 $0x70, s0;
	s8 =	spop (v2sf);
	(v2sf) =	vpush v2, $0xF  }
0x6f: {  	s4 =	ssub.s32 s4, s10;
	s10 =	sadd.s32 $0xFFFFF000, s2;
	s11 =	sshra.s32 s8, $0x1F  }
0x70: {  	s10 =	sand.u32 $0xFFFFFF80, s10;
	s5 =	sshrl.u32 s11, $0x1C;
	s11 =	sshll.u32 s4, $0x4  }
0x71: {  	p2 =	slt.s32 s8, $0x1;
	s5 =	sadd.s32 s5, s8;
	s4 =	sadd.s32 s11, s12  }
0x72: {  	s11 =	sand.u32 $0x70, s11;
	s2 =	sand.u32 $0xFFFFFFF0, s5;
	s4 =	sadd.s32 $0xFFFFF400, s4  }
0x73: {  	p1 =	sne.s32 s8, s2;
	s2 =	sor.u32 s0, s10;
	s4 =	sand.u32 $0xFFFFFF80, s4  }
0x74: {  	s10 =	simm.s32 $0x1;
	s0 =	sshrl.u32 s5, $0x4;
	p0 =	por !p2, !p1  }
0x75: {  	s5 =	sor.u32 s11, s4;
	s4 =	sand.u32 $0xF, s14;
	s11 =	sand.u32 $0xF, s16  }
0x76: {  	s16 =	sand.u32 $0xF, s19;
	s14 =	spop (v2sf);
	s19 =	sand.u32 $0xF, s28  }
0x77: {  	p0 =	por !p0, !p0;
	v2 =	vmov s4;
	s4 =	sand.u32 $0xF, s24;
	s28 =	sshra.s32 s14, $0x1F  }
0x78: {  	s24 =	sand.u32 $0xF, s1;
	p4 =	slt.s32 s14, $0x1;
	s10 =	simm.s32 @!p0 $0x0  }
0x79: {  	s0 =	ssub.s32 s0, s10;
	s10 =	sand.u32 $0xF, s15;
	s15 =	sand.u32 $0xF, s17  }
0x7a: {  	vm0 =	veq.s32 v2, v0;
	v2 =	vmov s11;
	s17 =	sand.u32 $0xF, s22;
	s22 =	sshrl.u32 s28, $0x1C;
	s28 =	rddreg [dreg:$0xb];
	v3 =	vmov s10  }
0x7b: {  	v4 =	vsel vm0, $0x3F800000, v1;
	vm14 =	veq.s32 v2, v0;
	s10 =	sand.u32 $0xF, s31;
	s0 =	sshll.u32 s0, $0x4;
	s11 =	sadd.s32 s22, s14;
	vm13 =	veq.s32 v3, v0  }
0x7c: {  	[tilespmem:s28+$0x0] =	vst v4;
	v2 =	vmov s15;
	s31 =	rddreg [dreg:$0xc];
	v53 =	vsel vm14, $0x3F800000, v1;
	s15 =	sadd.s32 s0, s12;
	s22 =	sand.u32 $0xFFFFFFF0, s11;
	v3 =	vsel vm13, $0x3F800000, v1  }
0x7d: {  	vm15 =	veq.s32 v2, v0;
	v2 =	vmov s17;
	s0 =	sand.u32 $0x70, s0;
	s17 =	sand.u32 $0xF, s8;
	[tilespmem:s31+$0x0] =	vst v3;
	v3 =	vmov s16;
	s1 =	spop (v2sf)  }
0x7e: {  	s8 =	simm.s32 $0x1;
	s15 =	sadd.s32 $0xFFFFF800, s15;
	v54 =	vsel vm15, $0x3F800000, v1;
	vm5 =	veq.s32 v2, v0;
	[tilespmem:s21+$0x0] =	vst v53;
	vm4 =	veq.s32 v3, v0;
	s28 =	sshra.s32 s1, $0x1F  }
0x7f: {  	p3 =	sne.s32 s14, s22;
	v2 =	vmov s19;
	s19 =	sshrl.u32 s11, $0x4;
	v3 =	vmov s4;
	[tilespmem:s23+$0x0] =	vst v54;
	v55 =	vsel vm4, $0x3F800000, v1;
	s16 =	sshrl.u32 s28, $0x1C  }
0x80: {  	s22 =	sand.u32 $0xF, s14;
	v56 =	vsel vm5, $0x3F800000, v1;
	p0 =	por !p4, !p3;
	vm6 =	veq.s32 v3, v0;
	[tilespmem:s25+$0x0] =	vst v55;
	s31 =	sadd.s32 s16, s1  }
0x81: {  	vm7 =	veq.s32 v2, v0;
	p1 =	por !p0, !p0;
	v3 =	vmov s10;
	s10 =	simm.s32 $0x1;
	v57 =	vsel vm6, $0x3F800000, v1;
	[tilespmem:s26+$0x0] =	vst v56;
	s16 =	sand.u32 $0xFFFFFFF0, s31  }
0x82: {  	v2 =	vmov s24;
	v58 =	vsel vm7, $0x3F800000, v1;
	vm8 =	veq.s32 v3, v0;
	s10 =	simm.s32 @!p1 $0x0;
	p6 =	slt.s32 s1, $0x1;
	[tilespmem:s29+$0x0] =	vst v57;
	p5 =	sne.s32 s1, s16  }
0x83: {  	s15 =	sand.u32 $0xFFFFFF80, s15;
	vm9 =	veq.s32 v2, v0;
	v3 =	vmov s3;
	v59 =	vsel vm8, $0x3F800000, v1;
	s21 =	ssub.s32 s19, s10;
	[tilespmem:s30+$0x0] =	vst v58;
	p0 =	por !p6, !p5  }
0x84: {  	s0 =	sor.u32 s0, s15;
	v2 =	vmov s7;
	v60 =	vsel vm9, $0x3F800000, v1;
	vm10 =	veq.s32 v3, v0;
	s7 =	sshll.u32 s21, $0x4;
	[tilespmem:s20+$0x0] =	vst v59;
	p0 =	por !p0, !p0  }
0x85: {  	vm11 =	veq.s32 v2, v0;
	v3 =	vmov s9;
	v61 =	vsel vm10, $0x3F800000, v1;
	s4 =	sshrl.u32 s31, $0x4;
	s23 =	sadd.s32 s7, s12;
	[tilespmem:s18+$0x0] =	vst v60;
	s8 =	simm.s32 @!p0 $0x0  }
0x86: {  	v2 =	vmov s17;
	v62 =	vsel vm11, $0x3F800000, v1;
	vm12 =	veq.s32 v3, v0;
	s24 =	sadd.s32 $0xFFFFFC00, s23;
	[tilespmem:s6+$0x0] =	vst v61;
	p0 =	sne.s32 s12, $0xFC00;
	s4 =	ssub.s32 s4, s8  }
.Ltmp0:
0x87: {  	vm13 =	veq.s32 v2, v0;
	v3 =	vmov s22;
	v63 =	vsel vm12, $0x3F800000, v1;
	s1 =	sand.u32 $0xF, s1;
	[tilespmem:s2+$0x0] =	vst v62;
	s25 =	sshll.u32 s4, $0x4;
	(pc) =	sbr.rel @p0 .LBB2_3-.Ltmp0, $4  }
0x88: {  	v2 =	vsel vm13, $0x3F800000, v1;
	vm14 =	veq.s32 v3, v0;
	s26 =	sand.u32 $0x70, s7;
	v3 =	vmov s1;
	s2 =	sand.u32 $0xFFFFFF80, s24;
	[tilespmem:s5+$0x0] =	vst v63;
	s28 =	sadd.s32 s25, s12  }
0x89: {  	vm15 =	veq.s32 v3, v0;
	s29 =	sor.u32 s26, s2;
	[tilespmem:s0+$0x0] =	vst v2;
	v2 =	vsel vm14, $0x3F800000, v1;
	s30 =	sand.u32 $0x70, s25;
	s1 =	sand.u32 $0xFFFFFF80, s28  }
0x8a: {  	[tilespmem:s29+$0x0] =	vst v2;
	v2 =	vsel vm15, $0x3F800000, v1;
	s31 =	sor.u32 s30, s1  }
0x8b: {  	s13 =	sadd.s32 $0x10, s13;
	s12 =	sadd.s32 $0x4000, s12;
	[tilespmem:s31+$0x0] =	vst v2  }
0x8c: {  	s20 =	rddreg [dreg:$0xa]  }
0x8d: {  	s1 =	rddreg [dreg:$0x4];
	s0 =	sshll.u32 s20, $0x6  }
0x8e: {  	s0 =	sadd.s32 s1, s0  }
0x8f: {  	s29 =	rddreg [dreg:$0x5];
	s0 =	sshll.u32 s0, $0x7  }
0x90: {  	s30 =	simm.s32 $0x0;
	s31 =	simm.s32 $0x1;
	s0 =	sadd.s32 s29, s0  }
0x91: {  	[hbm4b:s0+s30] =	stream.linear.scatter [tilespmem:s30], [sflag:$0x1], $0x10000, $0x38;
	[tilespmem:$0x10400] =	vst v63  }
0x92: {  	_ =	swait.ge [sflag:s31], $0x10000  }
0x93: {  	[sflag:s31] =	ssyncset.done $0x0;
	s19 =	rddreg [dreg:$0x9]  }
0x94: {  	s12 =	simm.s32 $0x3C00;
	[sflag:s31] =	ssyncadd.s32 $0xFFFF0000;
	s13 =	smov.u32 s19  }
.LBB2_5:
0x95: {  	v2 =	vld [tilespmem:s13+$0x0];
	_ =	sdelay $0x4  }
0x96: {  	(v2sf) =	vpush v2, $0x0;
	_ =	sdelay $0x1  }
0x97: {  	(v2sf) =	vpush v2, $0x1  }
0x98: {  	(v2sf) =	vpush v2, $0x2;
	_ =	sdelay $0x2  }
0x99: {  	(v2sf) =	vpush v2, $0x3;
	_ =	sdelay $0x1  }
0x9a: {  	(v2sf) =	vpush v2, $0x4;
	_ =	sdelay $0x6  }
0x9b: {  	s0 =	spop (v2sf)  }
0x9c: {  	s1 =	sand.u32 $0xF, s0;
	s2 =	sshra.s32 s0, $0x1F;
	p0 =	slt.s32 s0, $0x1  }
0x9d: {  	(v2sf) =	vpush v2, $0x5;
	s8 =	spop (v2sf);
	p1 =	sne.s32 s1, $0x0;
	s7 =	sshrl.u32 s2, $0x1C  }
0x9e: {  	s1 =	simm.s32 $0x1;
	s9 =	spop (v2sf);
	s3 =	sand.u32 $0xF, s8  }
0x9f: {  	s4 =	sshra.s32 s8, $0x1F;
	p0 =	por !p0, !p1;
	s0 =	sadd.s32 s7, s0  }
0xa0: {  	p1 =	slt.s32 s8, $0x1;
	p2 =	sne.s32 s3, $0x0;
	s4 =	sshrl.u32 s4, $0x1C  }
0xa1: {  	s5 =	spop (v2sf);
	s18 =	sand.u32 $0xF, s9;
	s6 =	sshra.s32 s9, $0x1F  }
0xa2: {  	p3 =	slt.s32 s9, $0x1;
	p0 =	por !p0, !p0;
	s0 =	sshrl.u32 s0, $0x4  }
0xa3: {  	s2 =	sadd.s32 s4, s8;
	s4 =	simm.s32 $0x1;
	s11 =	spop (v2sf)  }
0xa4: {  	p4 =	sne.s32 s18, $0x0;
	s21 =	sshrl.u32 s6, $0x1C;
	s23 =	sand.u32 $0xF, s5  }
0xa5: {  	(v2sf) =	vpush v2, $0x6;
	s7 =	sshra.s32 s5, $0x1F;
	p5 =	slt.s32 s5, $0x1;
	s6 =	simm.s32 $0x1  }
0xa6: {  	s1 =	simm.s32 @!p0 $0x0;
	p0 =	por !p1, !p2;
	s2 =	sshrl.u32 s2, $0x4  }
0xa7: {  	p6 =	sne.s32 s23, $0x0;
	s24 =	sshrl.u32 s7, $0x1C;
	s29 =	sshra.s32 s11, $0x1F  }
0xa8: {  	s30 =	sand.u32 $0xF, s11;
	p1 =	slt.s32 s11, $0x1;
	s0 =	ssub.s32 s0, s1  }
0xa9: {  	p0 =	por !p0, !p0;
	s1 =	sadd.s32 s21, s9;
	p2 =	sne.s32 s30, $0x0  }
0xaa: {  	s0 =	sshll.u32 s0, $0x4;
	s4 =	simm.s32 @!p0 $0x0;
	p0 =	por !p3, !p4  }
0xab: {  	s1 =	sshrl.u32 s1, $0x4;
	s10 =	sadd.s32 s0, s12;
	s2 =	ssub.s32 s2, s4  }
0xac: {  	s0 =	sand.u32 $0x70, s0;
	p0 =	por !p0, !p0;
	s22 =	spop (v2sf);
	(v2sf) =	vpush v2, $0x7  }
0xad: {  	s4 =	simm.s32 $0x1;
	s3 =	sadd.s32 $0xFFFFC400, s10;
	s2 =	sshll.u32 s2, $0x4  }
0xae: {  	s3 =	sand.u32 $0xFFFFFF80, s3;
	s17 =	sadd.s32 s2, s12;
	s2 =	sand.u32 $0x70, s2  }
0xaf: {  	s14 =	sor.u32 s0, s3;
	s0 =	sadd.s32 $0xFFFFC800, s17;
	s3 =	simm.s32 $0x1  }
0xb0: {  	s3 =	simm.s32 @!p0 $0x0;
	s0 =	sand.u32 $0xFFFFFF80, s0;
	p0 =	por !p5, !p6  }
0xb1: {  	s1 =	ssub.s32 s1, s3;
	s3 =	sadd.s32 s24, s5;
	p0 =	por !p0, !p0  }
0xb2: {  	s5 =	simm.s32 $0x1;
	s16 =	sor.u32 s2, s0;
	s2 =	simm.s32 $0x1  }
0xb3: {  	s1 =	sshll.u32 s1, $0x4;
	s3 =	sshrl.u32 s3, $0x4;
	s5 =	simm.s32 @!p0 $0x0  }
0xb4: {  	p0 =	por !p1, !p2;
	s25 =	sadd.s32 s1, s12;
	s31 =	spop (v2sf);
	(v2sf) =	vpush v2, $0x8  }
0xb5: {  	s3 =	ssub.s32 s3, s5;
	s1 =	sand.u32 $0x70, s1;
	p0 =	por !p0, !p0  }
0xb6: {  	s7 =	sadd.s32 $0xFFFFCC00, s25;
	s3 =	sshll.u32 s3, $0x4;
	s4 =	simm.s32 @!p0 $0x0  }
0xb7: {  	s8 =	sshra.s32 s22, $0x1F;
	s9 =	sand.u32 $0xF, s22;
	p3 =	slt.s32 s22, $0x1  }
0xb8: {  	s26 =	sand.u32 $0xFFFFFF80, s7;
	s28 =	sadd.s32 s3, s12;
	s3 =	sand.u32 $0x70, s3  }
0xb9: {  	p4 =	sne.s32 s9, $0x0;
	s23 =	sand.u32 $0xF, s31;
	s24 =	sshra.s32 s31, $0x1F  }
0xba: {  	p5 =	slt.s32 s31, $0x1;
	s15 =	sor.u32 s1, s26;
	s0 =	sadd.s32 $0xFFFFD000, s28  }
0xbb: {  	s1 =	sshrl.u32 s29, $0x1C;
	p0 =	por !p3, !p4;
	s10 =	spop (v2sf);
	(v2sf) =	vpush v2, $0x9  }
0xbc: {  	p6 =	sne.s32 s23, $0x0;
	s25 =	sshrl.u32 s24, $0x1C;
	s1 =	sadd.s32 s1, s11  }
0xbd: {  	s0 =	sand.u32 $0xFFFFFF80, s0;
	p0 =	por !p0, !p0;
	s1 =	sshrl.u32 s1, $0x4  }
0xbe: {  	s6 =	simm.s32 @!p0 $0x0;
	s1 =	ssub.s32 s1, s4;
	s4 =	sshrl.u32 s8, $0x1C  }
0xbf: {  	s17 =	sor.u32 s3, s0;
	s1 =	sshll.u32 s1, $0x4;
	s4 =	sadd.s32 s4, s22  }
0xc0: {  	p0 =	por !p5, !p6;
	s11 =	sadd.s32 s1, s12;
	s4 =	sshrl.u32 s4, $0x4  }
0xc1: {  	p0 =	por !p0, !p0;
	s18 =	sadd.s32 $0xFFFFD400, s11;
	s21 =	ssub.s32 s4, s6  }
0xc2: {  	s1 =	sand.u32 $0x70, s1;
	s0 =	sand.u32 $0xFFFFFF80, s18;
	s3 =	sshll.u32 s21, $0x4  }
0xc3: {  	s18 =	sor.u32 s1, s0;
	s1 =	sadd.s32 s25, s31;
	s26 =	spop (v2sf);
	(v2sf) =	vpush v2, $0xA  }
0xc4: {  	s2 =	simm.s32 @!p0 $0x0;
	s22 =	sadd.s32 s3, s12;
	s1 =	sshrl.u32 s1, $0x4  }
0xc5: {  	s5 =	simm.s32 $0x1;
	s0 =	sadd.s32 $0xFFFFD800, s22;
	s1 =	ssub.s32 s1, s2  }
0xc6: {  	s3 =	sand.u32 $0x70, s3;
	s0 =	sand.u32 $0xFFFFFF80, s0;
	s1 =	sshll.u32 s1, $0x4  }
0xc7: {  	s7 =	simm.s32 $0x1;
	s0 =	sor.u32 s3, s0;
	s30 =	sadd.s32 s1, s12  }
0xc8: {  	s1 =	sand.u32 $0x70, s1;
	s28 =	sshra.s32 s10, $0x1F;
	s29 =	sand.u32 $0xF, s10  }
0xc9: {  	p1 =	slt.s32 s10, $0x1;
	s6 =	sadd.s32 $0xFFFFDC00, s30;
	s2 =	sshrl.u32 s28, $0x1C  }
0xca: {  	p2 =	sne.s32 s29, $0x0;
	s9 =	sand.u32 $0xFFFFFF80, s6;
	s31 =	spop (v2sf);
	(v2sf) =	vpush v2, $0xB  }
0xcb: {  	s11 =	sshra.s32 s26, $0x1F;
	p3 =	slt.s32 s26, $0x1;
	s2 =	sadd.s32 s2, s10  }
0xcc: {  	p0 =	por !p1, !p2;
	s10 =	sand.u32 $0xF, s26;
	s6 =	sshrl.u32 s11, $0x1C  }
0xcd: {  	p0 =	por !p0, !p0;
	s2 =	sshrl.u32 s2, $0x4;
	p4 =	sne.s32 s10, $0x0  }
0xce: {  	s4 =	sadd.s32 s6, s26;
	s5 =	simm.s32 @!p0 $0x0;
	p0 =	por !p3, !p4  }
0xcf: {  	s6 =	simm.s32 $0x1;
	s2 =	ssub.s32 s2, s5;
	p0 =	por !p0, !p0  }
0xd0: {  	s4 =	sshrl.u32 s4, $0x4;
	s2 =	sshll.u32 s2, $0x4;
	s6 =	simm.s32 @!p0 $0x0  }
0xd1: {  	s21 =	sadd.s32 s2, s12;
	s8 =	sand.u32 $0x70, s2;
	s4 =	ssub.s32 s4, s6  }
0xd2: {  	s5 =	sadd.s32 $0xFFFFE000, s21;
	s22 =	sshll.u32 s4, $0x4;
	s24 =	spop (v2sf);
	(v2sf) =	vpush v2, $0xC  }
0xd3: {  	s2 =	sor.u32 s1, s9;
	s5 =	sand.u32 $0xFFFFFF80, s5;
	s4 =	sadd.s32 s22, s12  }
0xd4: {  	s3 =	sand.u32 $0x70, s22;
	s1 =	sor.u32 s8, s5;
	s4 =	sadd.s32 $0xFFFFE400, s4  }
0xd5: {  	s23 =	sand.u32 $0xF, s31;
	s25 =	sshra.s32 s31, $0x1F;
	p5 =	slt.s32 s31, $0x1  }
0xd6: {  	p6 =	sne.s32 s23, $0x0;
	s26 =	sshrl.u32 s25, $0x1C;
	s30 =	sand.u32 $0xF, s24  }
0xd7: {  	p1 =	slt.s32 s24, $0x1;
	p0 =	por !p5, !p6;
	s5 =	sadd.s32 s26, s31  }
0xd8: {  	s31 =	sshra.s32 s24, $0x1F;
	p2 =	sne.s32 s30, $0x0;
	p0 =	por !p0, !p0  }
0xd9: {  	s5 =	sshrl.u32 s5, $0x4;
	s8 =	sshrl.u32 s31, $0x1C;
	s28 =	spop (v2sf);
	(v2sf) =	vpush v2, $0xD  }
0xda: {  	s7 =	simm.s32 @!p0 $0x0;
	p0 =	por !p1, !p2;
	s6 =	sadd.s32 s8, s24  }
0xdb: {  	s8 =	simm.s32 $0x1;
	s5 =	ssub.s32 s5, s7;
	p0 =	por !p0, !p0  }
0xdc: {  	s6 =	sshrl.u32 s6, $0x4;
	s29 =	sshll.u32 s5, $0x4;
	s8 =	simm.s32 @!p0 $0x0  }
0xdd: {  	s4 =	sand.u32 $0xFFFFFF80, s4;
	s9 =	sadd.s32 s29, s12;
	s6 =	ssub.s32 s6, s8  }
0xde: {  	s3 =	sor.u32 s3, s4;
	s5 =	sadd.s32 $0xFFFFE800, s9;
	s6 =	sshll.u32 s6, $0x4  }
0xdf: {  	s4 =	sand.u32 $0x70, s29;
	s5 =	sand.u32 $0xFFFFFF80, s5;
	s11 =	sadd.s32 s6, s12  }
0xe0: {  	s6 =	sand.u32 $0x70, s6;
	s5 =	sor.u32 s4, s5;
	s10 =	sshra.s32 s28, $0x1F  }
0xe1: {  	s9 =	sand.u32 $0xF, s28;
	s8 =	sshrl.u32 s10, $0x1C;
	s10 =	spop (v2sf);
	(v2sf) =	vpush v2, $0xE  }
0xe2: {  	p3 =	slt.s32 s28, $0x1;
	p4 =	sne.s32 s9, $0x0;
	s7 =	sadd.s32 s8, s28  }
0xe3: {  	p0 =	por !p3, !p4;
	s8 =	simm.s32 $0x1;
	s22 =	sshra.s32 s10, $0x1F  }
0xe4: {  	s23 =	sand.u32 $0xF, s10;
	p5 =	slt.s32 s10, $0x1;
	p0 =	por !p0, !p0  }
0xe5: {  	s7 =	sshrl.u32 s7, $0x4;
	p6 =	sne.s32 s23, $0x0;
	s8 =	simm.s32 @!p0 $0x0  }
0xe6: {  	p0 =	por !p5, !p6;
	s7 =	ssub.s32 s7, s8;
	s8 =	sshrl.u32 s22, $0x1C  }
0xe7: {  	p0 =	por !p0, !p0;
	s8 =	sadd.s32 s8, s10;
	s10 =	simm.s32 $0x1  }
0xe8: {  	[tilespmem:s14+$0x0] =	vst v1;
	s8 =	sshrl.u32 s8, $0x4;
	s10 =	simm.s32 @!p0 $0x0;
	s24 =	spop (v2sf);
	(v2sf) =	vpush v2, $0xF  }
0xe9: {  	[tilespmem:s16+$0x0] =	vst v1;
	s9 =	sadd.s32 $0xFFFFEC00, s11;
	s21 =	sshll.u32 s7, $0x4;
	s8 =	ssub.s32 s8, s10  }
0xea: {  	[tilespmem:s15+$0x0] =	vst v1;
	s9 =	sand.u32 $0xFFFFFF80, s9;
	s7 =	sadd.s32 s21, s12;
	s8 =	sshll.u32 s8, $0x4  }
0xeb: {  	[tilespmem:s17+$0x0] =	vst v1;
	s4 =	sor.u32 s6, s9;
	s7 =	sadd.s32 $0xFFFFF000, s7;
	s28 =	sadd.s32 s8, s12  }
0xec: {  	[tilespmem:s18+$0x0] =	vst v1;
	s6 =	sand.u32 $0x70, s21;
	s7 =	sand.u32 $0xFFFFFF80, s7;
	s29 =	sadd.s32 $0xFFFFF400, s28  }
0xed: {  	[tilespmem:s0+$0x0] =	vst v1;
	s6 =	sor.u32 s6, s7;
	s8 =	sand.u32 $0x70, s8;
	s7 =	sand.u32 $0xFFFFFF80, s29  }
0xee: {  	[tilespmem:s2+$0x0] =	vst v1;
	s2 =	simm.s32 $0x1;
	s10 =	simm.s32 $0x1;
	s7 =	sor.u32 s8, s7  }
0xef: {  	s25 =	sand.u32 $0xF, s24;
	s11 =	sshra.s32 s24, $0x1F;
	p1 =	slt.s32 s24, $0x1  }
0xf0: {  	p2 =	sne.s32 s25, $0x0;
	s26 =	sshrl.u32 s11, $0x1C;
	s30 =	spop (v2sf)  }
0xf1: {  	p0 =	por !p1, !p2;
	s9 =	sadd.s32 s26, s24;
	s11 =	sand.u32 $0xF, s30  }
0xf2: {  	p4 =	slt.s32 s30, $0x1;
	p0 =	por !p0, !p0;
	p3 =	sne.s32 s11, $0x0  }
0xf3: {  	s9 =	sshrl.u32 s9, $0x4;
	s10 =	simm.s32 @!p0 $0x0;
	p0 =	por !p4, !p3  }
0xf4: {  	s14 =	sshra.s32 s30, $0x1F;
	s9 =	ssub.s32 s9, s10;
	p0 =	por !p0, !p0  }
0xf5: {  	s10 =	simm.s32 $0x1;
	s31 =	sshll.u32 s9, $0x4;
	s9 =	sshrl.u32 s14, $0x1C  }
0xf6: {  	s10 =	simm.s32 @!p0 $0x0;
	s16 =	sadd.s32 s31, s12;
	s9 =	sadd.s32 s9, s30  }
0xf7: {  	s25 =	sand.u32 $0x70, s31;
	s9 =	sshrl.u32 s9, $0x4;
	s17 =	spop (v2sf)  }
0xf8: {  	s18 =	sadd.s32 $0xFFFFF800, s16;
	s9 =	ssub.s32 s9, s10;
	s21 =	sand.u32 $0xF, s17  }
0xf9: {  	s22 =	sshra.s32 s17, $0x1F;
	p6 =	slt.s32 s17, $0x1;
	p5 =	sne.s32 s21, $0x0  }
0xfa: {  	[tilespmem:s1+$0x0] =	vst v1;
	s0 =	sand.u32 $0xFFFFFF80, s18;
	s23 =	sshrl.u32 s22, $0x1C;
	p0 =	por !p6, !p5  }
0xfb: {  	[tilespmem:s3+$0x0] =	vst v1;
	s24 =	sshll.u32 s9, $0x4;
	s1 =	sadd.s32 s23, s17;
	p0 =	por !p0, !p0  }
0xfc: {  	[tilespmem:s5+$0x0] =	vst v1;
	s0 =	sor.u32 s25, s0;
	s1 =	sshrl.u32 s1, $0x4;
	s2 =	simm.s32 @!p0 $0x0  }
0xfd: {  	[tilespmem:s4+$0x0] =	vst v1;
	s26 =	sadd.s32 s24, s12;
	p0 =	sne.s32 s12, $0xFC00;
	s1 =	ssub.s32 s1, s2  }
.Ltmp1:
0xfe: {  	[tilespmem:s6+$0x0] =	vst v1;
	s2 =	sadd.s32 $0xFFFFFC00, s26;
	s1 =	sshll.u32 s1, $0x4;
	(pc) =	sbr.rel @p0 .LBB2_5-.Ltmp1, $4  }
0xff: {  	[tilespmem:s7+$0x0] =	vst v1;
	s3 =	sand.u32 $0x70, s24;
	s2 =	sand.u32 $0xFFFFFF80, s2;
	s28 =	sadd.s32 s1, s12  }
0x100: {  	[tilespmem:s0+$0x0] =	vst v1;
	s29 =	sor.u32 s3, s2;
	s1 =	sand.u32 $0x70, s1;
	s30 =	sand.u32 $0xFFFFFF80, s28  }
0x101: {  	[tilespmem:s29+$0x0] =	vst v1;
	s31 =	sor.u32 s1, s30  }
0x102: {  	s13 =	sadd.s32 $0x10, s13;
	s12 =	sadd.s32 $0x4000, s12;
	[tilespmem:s31+$0x0] =	vst v1  }
0x103: {  	s20 =	sadd.s32 $0x1, s20  }
0x104: {  	p0 =	sne.s32 s20, $0x10  }
.Ltmp2:
0x105: {  	_ = 	snop;
	(pc) =	sbr.rel @p0 .LBB2_2-.Ltmp2, $2  }
0x106: {  	_ =	sdelay $0x2  }
0x107: {  	s19 =	sadd.s32 $0x40, s19  }
0x108: {  	s1 =	rddreg [dreg:$0x8]  }
0x109: {  	s0 =	rddreg [dreg:$0x7];
	s1 =	sadd.s32 $0x1, s1  }
0x10a: {  	p0 =	sne.s32 s1, s0  }
.Ltmp3:
0x10b: {  	_ = 	snop;
	(pc) =	sbr.rel @p0 .LBB2_1-.Ltmp3, $1  }
0x10c: {  	_ =	sdelay $0x3  }
0x10d: {  	_ =	sfence.sel $0x180000  }
0x10e: {  	[bflag:$0x0] =	sbarrier.arrive $0xFFFF  }
0x10f: {  	_ =	strace $0x90000047  }
0x110: {  	s0 =	stileid.u32;
	[bflag:$0x2] =	sbarrier.arrive $0xFFFF  }
0x111: {  	p0 =	sne.s32 s0, $0x0;
	s0 =	rddreg [dreg:$0x3]  }
0x112: {  	s0 =	sadd.s32 @!p0 $0x100000, s0  }
0x113: {  	[sflag:s0] =	ssyncadd.tile.s32 @!p0 $0x1;
	_ =	shalt  }
.Lfunc_end2:
_tile_overlayer_lowered:
.L_overlay_start_2:
0x114: {  	(tag) =	ssettag $0x2  }
0x115: {  	s0 =	rddreg [dreg:$0x0];
	s2 =	stileid.u32  }
0x116: {  	s1 =	rddreg [dreg:$0x1];
	p0 =	sne.s32 s2, $0x0  }
0x117: {  	s3 =	rddreg [dreg:$0x2];
	[bflag:$0x3] =	sbarrier.arrive $0xFFFF;
	s2 =	simm.s32 @!p0 $0x1C01  }
0x118: {  	[timem:s3], [sflag:s2] =	dma.local @!p0 [hbm:s0], s1  }
0x119: {  	s0 =	simm.s32 @!p0 $0x1  }
0x11a: {  	_ =	swait.ge @!p0 [sflag:s0], s1  }
0x11b: {  	s1 =	ssub.s32 @!p0 $0x0, s1;
	[sflag:s0] =	ssyncset.done @!p0 $0x0  }
0x11c: {  	[sflag:s0] =	ssyncadd.s32 @!p0 s1  }
0x11d: {  	[bflag:$0x3] =	sbarrier.arrive $0xFFFF  }
0x11e: {  	_ =	shalt  }

</sc_bundles>
